<compile_context>
chip_gen: v7x
topology: tpu7x:2x2x1
jax: 0.10.2.dev20260603
libtpu: 0.0.44.dev20260713+nightly
codegen_flags: <defaults>
</compile_context>

<pallas_src>
import functools

import jax
import jax.numpy as jnp
from jax import lax
from jax.experimental import pallas as pl
from jax.experimental.pallas import tpu as pltpu
from jax.experimental.pallas import tpu_sc as plsc

_ATOM_DIMS = (119, 4, 12, 12, 10, 6, 6, 2, 2)
_BOND_DIMS = (5, 6, 2)
_ATOM_PAD = 176
_BOND_PAD = 16
_DIM_H = 112
_DIM_EMB = 128

_NB = 1000
_EB = 16000
_G = _EB // 128
_C_ROWS = 64

_CH = 400
_NW = 32
_NCH = 25


def _prep_body(ea_ref, b0_ref, b1_ref, b2_ref, codes_ref, c_ref):
    widx = jax.lax.broadcasted_iota(jnp.int32, (8, 1), 0)
    w = jnp.where(widx == 0, 12.0,
                  jnp.where(widx == 1, 2.0, jnp.where(widx == 2, 1.0, 0.0)))
    ea = jnp.pad(ea_ref[...].astype(jnp.float32), ((0, 0), (0, 5)))
    code_col = jnp.dot(ea, w, preferred_element_type=jnp.float32)
    codes_ref[pl.ds(pl.program_id(0) * _G, _G), :] = jnp.reshape(
        code_col, (_G, 128)).astype(jnp.int32)

    @pl.when(pl.program_id(0) == 0)
    def _():
        tbl = jnp.concatenate(
            [b0_ref[...], b1_ref[...], b2_ref[...],
             jnp.zeros((_BOND_PAD - 13, _DIM_EMB), jnp.float32)], axis=0)
        k = jax.lax.broadcasted_iota(jnp.int32, (_C_ROWS, 1), 0)
        iota = jax.lax.broadcasted_iota(jnp.int32, (_C_ROWS, _BOND_PAD), 1)
        mh = ((iota == k // 12).astype(jnp.float32)
              + (iota == 5 + (k % 12) // 2).astype(jnp.float32)
              + (iota == 11 + k % 2).astype(jnp.float32))
        c_ref[...] = jnp.dot(mh, tbl, preferred_element_type=jnp.float32)


def _node_body(x_ref, pe_ref, w1_ref, b1_ref, w2_ref, b2_ref, *rest):
    atab_refs, out_ref = rest[:9], rest[9]
    tbl = jnp.concatenate(
        [r[...] for r in atab_refs]
        + [jnp.zeros((_ATOM_PAD - 173, _DIM_H), jnp.float32)], axis=0)
    xb = x_ref[...]
    iota = jax.lax.broadcasted_iota(jnp.int32, (_NB, _ATOM_PAD), 1)
    mh = jnp.zeros((_NB, _ATOM_PAD), jnp.float32)
    off = 0
    for c, d in enumerate(_ATOM_DIMS):
        mh = mh + (iota == xb[:, c:c + 1] + off).astype(jnp.float32)
        off += d
    h = jnp.dot(mh, tbl, preferred_element_type=jnp.float32)
    p = jnp.maximum(jnp.dot(pe_ref[...], w1_ref[...],
                            preferred_element_type=jnp.float32)
                    + b1_ref[...].reshape(1, 32), 0.0)
    p = jnp.maximum(jnp.dot(p, w2_ref[...],
                            preferred_element_type=jnp.float32)
                    + b2_ref[...].reshape(1, 16), 0.0)
    out_ref[...] = jnp.concatenate([h, p], axis=1)


def _sc_edge_body(codes_hbm, c_hbm, out_hbm, codes_v, rows0, rows1, c_sh,
                  sem0, sem1):
    E = codes_hbm.shape[0]
    bpw = E // _NW
    wid = lax.axis_index("s") * 2 + lax.axis_index("c")
    base = wid * bpw

    @pl.when(lax.axis_index("s") == 0)
    def _():
        pltpu.sync_copy(c_hbm, c_sh)

    plsc.subcore_barrier()

    pltpu.sync_copy(codes_hbm.at[pl.ds(base, bpw)], codes_v)

    def pair_body(j, _):
        for b, (rv, sem) in enumerate(((rows0, sem0), (rows1, sem1))):
            c = 2 * j + b
            e0 = base + c * _CH

            @pl.when(j > 0)
            def _():
                pltpu.make_async_copy(
                    rv, out_hbm.at[pl.ds(e0 - 2 * _CH, _CH)], sem).wait()

            pltpu.sync_copy(c_sh.at[codes_v.at[pl.ds(c * _CH, _CH)]], rv)
            pltpu.make_async_copy(rv, out_hbm.at[pl.ds(e0, _CH)], sem).start()
        return 0

    lax.fori_loop(0, _NCH // 2, pair_body, 0)

    e0 = base + (_NCH - 1) * _CH
    pltpu.make_async_copy(rows0, out_hbm.at[pl.ds(e0 - 2 * _CH, _CH)], sem0).wait()
    pltpu.sync_copy(c_sh.at[codes_v.at[pl.ds((_NCH - 1) * _CH, _CH)]], rows0)
    pltpu.make_async_copy(rows0, out_hbm.at[pl.ds(e0, _CH)], sem0).start()

    pltpu.make_async_copy(rows0, out_hbm.at[pl.ds(e0, _CH)], sem0).wait()
    pltpu.make_async_copy(
        rows1, out_hbm.at[pl.ds(e0 - _CH, _CH)], sem1).wait()


def kernel(x, edge_attr, pestat_RWSE, atom_tables, bond_tables, W1, b1, W2, b2):
    N = x.shape[0]
    E = edge_attr.shape[0]

    codes2d, ctbl = pl.pallas_call(
        _prep_body,
        grid=(E // _EB,),
        in_specs=[
            pl.BlockSpec((_EB, 3), lambda i: (i, 0)),
            pl.BlockSpec((5, _DIM_EMB), lambda i: (0, 0)),
            pl.BlockSpec((6, _DIM_EMB), lambda i: (0, 0)),
            pl.BlockSpec((2, _DIM_EMB), lambda i: (0, 0)),
        ],
        out_specs=[
            pl.BlockSpec((E // 128, 128), lambda i: (0, 0)),
            pl.BlockSpec((_C_ROWS, _DIM_EMB), lambda i: (0, 0)),
        ],
        out_shape=[
            jax.ShapeDtypeStruct((E // 128, 128), jnp.int32),
            jax.ShapeDtypeStruct((_C_ROWS, _DIM_EMB), jnp.float32),
        ],
    )(edge_attr, *bond_tables)
    codes = codes2d.reshape(E)

    sc_edge = functools.partial(
        pl.kernel,
        mesh=plsc.VectorSubcoreMesh(core_axis_name="c", subcore_axis_name="s"),
        out_type=jax.ShapeDtypeStruct((E, _DIM_EMB), jnp.float32),
        scratch_types=[
            pltpu.VMEM((E // _NW,), jnp.int32),
            pltpu.VMEM((_CH, _DIM_EMB), jnp.float32),
            pltpu.VMEM((_CH, _DIM_EMB), jnp.float32),
            pltpu.VMEM_SHARED((_C_ROWS, _DIM_EMB), jnp.float32),
            pltpu.SemaphoreType.DMA,
            pltpu.SemaphoreType.DMA,
        ],
    )(_sc_edge_body)
    e = sc_edge(codes, ctbl)

    new_x = pl.pallas_call(
        _node_body,
        grid=(N // _NB,),
        in_specs=[
            pl.BlockSpec((_NB, 9), lambda i: (i, 0)),
            pl.BlockSpec((_NB, 20), lambda i: (i, 0)),
            pl.BlockSpec((20, 32), lambda i: (0, 0)),
            pl.BlockSpec((32,), lambda i: (0,)),
            pl.BlockSpec((32, 16), lambda i: (0, 0)),
            pl.BlockSpec((16,), lambda i: (0,)),
        ] + [pl.BlockSpec((d, _DIM_H), lambda i: (0, 0)) for d in _ATOM_DIMS],
        out_specs=pl.BlockSpec((_NB, _DIM_EMB), lambda i: (i, 0)),
        out_shape=jax.ShapeDtypeStruct((N, _DIM_EMB), jnp.float32),
    )(x, pestat_RWSE, W1, b1, W2, b2, *atom_tables)

    return new_x, e

# --- scband reference (transcript-rebuilt; emitter-appended) ---
"""Pipeline reference for scband-peptide-encoder-19146964205884 (READ-ONLY COPY).

The authoritative reference and input builder live on the scoring server;
editing this copy changes nothing except your own understanding.
"""

import jax, jax.numpy as jnp
import numpy as np

# OGB-style categorical feature vocab sizes
ATOM_DIMS = [119, 4, 12, 12, 10, 6, 6, 2, 2]
BOND_DIMS = [5, 6, 2]
N = 10000
E = 320000
DIM_EMB = 128
DIM_PE = 16
STEPS = 20
DIM_H = DIM_EMB - DIM_PE  # 112


def setup_inputs(seed: int = 0) -> dict:
    key = jax.random.key(seed)
    ks = jax.random.split(key, 8)
    # fill_max=2 keeps indices valid for every per-column vocab (min dim is 2)
    x = jax.random.randint(ks[0], (N, len(ATOM_DIMS)), 0, 2)
    edge_attr = jax.random.randint(ks[1], (E, len(BOND_DIMS)), 0, 2)
    pestat_RWSE = jax.random.normal(ks[2], (N, STEPS), dtype=jnp.float32)
    atom_tables = tuple(
        jax.random.normal(jax.random.fold_in(key, 100 + i), (d, DIM_H), dtype=jnp.float32) * 0.1
        for i, d in enumerate(ATOM_DIMS)
    )
    bond_tables = tuple(
        jax.random.normal(jax.random.fold_in(key, 200 + i), (d, DIM_EMB), dtype=jnp.float32) * 0.1
        for i, d in enumerate(BOND_DIMS)
    )
    W1 = jax.random.normal(ks[3], (STEPS, 2 * DIM_PE), dtype=jnp.float32) * 0.1
    b1 = jnp.zeros((2 * DIM_PE,), dtype=jnp.float32)
    W2 = jax.random.normal(ks[4], (2 * DIM_PE, DIM_PE), dtype=jnp.float32) * 0.1
    b2 = jnp.zeros((DIM_PE,), dtype=jnp.float32)
    return {
        "x": x,
        "edge_attr": edge_attr,
        "pestat_RWSE": pestat_RWSE,
        "atom_tables": atom_tables,
        "bond_tables": bond_tables,
        "W1": W1,
        "b1": b1,
        "W2": W2,
        "b2": b2,
    }


def reference(x, edge_attr, pestat_RWSE, atom_tables, bond_tables, W1, b1, W2, b2):
    # Encoder(type='atom'): sum of per-column embedding lookups -> [N, DIM_H]
    h = jnp.take(atom_tables[0], x[:, 0], axis=0)
    for i in range(1, len(atom_tables)):
        h = h + jnp.take(atom_tables[i], x[:, i], axis=0)
    # Encoder(type='bond'): sum of per-column embedding lookups -> [E, DIM_EMB]
    e = jnp.take(bond_tables[0], edge_attr[:, 0], axis=0)
    for i in range(1, len(bond_tables)):
        e = e + jnp.take(bond_tables[i], edge_attr[:, i], axis=0)
    # RWSENodeEncoder: MLP(pestat_RWSE) -> [N, DIM_PE], then concat to node features
    pe = jax.nn.relu(pestat_RWSE @ W1 + b1)
    pe = jax.nn.relu(pe @ W2 + b2)
    new_x = jnp.concatenate([h, pe], axis=1)  # [N, DIM_EMB]
    return new_x, e

if __name__ == "__main__":
    import jax
    _d = setup_inputs()
    print(jax.jit(kernel)(*tuple(_d.values())))

</pallas_src>

<mosaic_0001>
#map = affine_map<(d0, d1) -> (0)>
#map1 = affine_map<(d0, d1) -> (0, 0)>
module attributes {stable_mosaic.version = 14 : i64} {
  func.func @_sc_edge_body(%arg0: i32, %arg1: i32, %arg2: memref<320000xi32, #tpu.memory_space<hbm>>, %arg3: memref<64x128xf32, #tpu.memory_space<hbm>>, %arg4: memref<320000x128xf32, #tpu.memory_space<hbm>>, %arg5: memref<10000xi32, #tpu.memory_space<vmem>>, %arg6: memref<400x128xf32, #tpu.memory_space<vmem>>, %arg7: memref<400x128xf32, #tpu.memory_space<vmem>>, %arg8: memref<64x128xf32, #tpu.memory_space<vmem_shared>>, %arg9: memref<!tpu.dma_semaphore, #tpu.memory_space<semaphore_mem>>, %arg10: memref<!tpu.dma_semaphore, #tpu.memory_space<semaphore_mem>>) attributes {dimension_semantics = [#tpu.dimension_semantics<core_parallel>, #tpu.dimension_semantics<subcore_parallel>], iteration_bounds = array<i64: 2, 16>, scalar_prefetch = 0 : i64, scratch_operands = 6 : i64, tpu.core_type = #tpu.core_type<sc_vector_subcore>, window_params = [{transform_indices = #map}, {transform_indices = #map1}, {transform_indices = #map1}]} {
    %mul3A = arith.constant 2 : i32
    %mul3A_0 = arith.muli %arg1, %mul3A : i32
    %add3A = arith.addi %mul3A_0, %arg0 : i32
    %mul3A_1 = arith.constant 10000 : i32
    %mul3A_2 = arith.muli %add3A, %mul3A_1 : i32
    %eq3A = arith.constant 0 : i32
    %eq3A_3 = arith.cmpi eq, %arg1, %eq3A : i32
    %convert_element_type3A = arith.extui %eq3A_3 : i1 to i32
    %cond3A = arith.constant 0 : i32
    %cond3A_4 = arith.cmpi ne, %convert_element_type3A, %cond3A : i32
    scf.if %cond3A_4 {
      "tpu.region"() ({
        %run_scoped3A = tpu.sem_alloc : memref<!tpu.dma_semaphore, #tpu.memory_space<semaphore_mem>>
        tpu.enqueue_dma source(%arg3 : memref<64x128xf32, #tpu.memory_space<hbm>>) target(%arg8 : memref<64x128xf32, #tpu.memory_space<vmem_shared>>) target_semaphore(%run_scoped3A : memref<!tpu.dma_semaphore, #tpu.memory_space<semaphore_mem>>)
        tpu.wait_dma2 semaphore(%run_scoped3A : memref<!tpu.dma_semaphore, #tpu.memory_space<semaphore_mem>>) src(%arg3 : memref<64x128xf32, #tpu.memory_space<hbm>>) dst(%arg8 : memref<64x128xf32, #tpu.memory_space<vmem_shared>>)
        tpu.yield
      }) : () -> ()
    } else {
    }
    %barrier3A = arith.constant 0 : index
    tpu.barrier barrier_id(%barrier3A)
    "tpu.region"() ({
      %run_scoped3A = tpu.sem_alloc : memref<!tpu.dma_semaphore, #tpu.memory_space<semaphore_mem>>
      %dma_start3A_30 = tpu.memref_slice %arg2[%mul3A_2] : memref<320000xi32, #tpu.memory_space<hbm>> -> memref<10000xi32, #tpu.memory_space<hbm>>
      %dma_start3A_31 = tpu.memref_slice %arg2[%mul3A_2] : memref<320000xi32, #tpu.memory_space<hbm>> -> memref<10000xi32, #tpu.memory_space<hbm>>
      tpu.enqueue_dma source(%dma_start3A_31 : memref<10000xi32, #tpu.memory_space<hbm>>) target(%arg5 : memref<10000xi32, #tpu.memory_space<vmem>>) target_semaphore(%run_scoped3A : memref<!tpu.dma_semaphore, #tpu.memory_space<semaphore_mem>>)
      %dma_wait3A_32 = tpu.memref_slice %arg2[%mul3A_2] : memref<320000xi32, #tpu.memory_space<hbm>> -> memref<10000xi32, #tpu.memory_space<hbm>>
      %dma_wait3A_33 = tpu.memref_slice %arg2[%mul3A_2] : memref<320000xi32, #tpu.memory_space<hbm>> -> memref<10000xi32, #tpu.memory_space<hbm>>
      tpu.wait_dma2 semaphore(%run_scoped3A : memref<!tpu.dma_semaphore, #tpu.memory_space<semaphore_mem>>) src(%dma_wait3A_33 : memref<10000xi32, #tpu.memory_space<hbm>>) dst(%arg5 : memref<10000xi32, #tpu.memory_space<vmem>>)
      tpu.yield
    }) : () -> ()
    %scan3A = arith.constant 0 : i32
    %scan3A_5 = arith.constant 0 : i32
    %scan3A_6 = arith.constant 12 : i32
    %scan3A_7 = arith.addi %scan3A_5, %scan3A_6 : i32
    %scan3A_8 = arith.constant 1 : i32
    %scan3A_9 = scf.for %scan3A_30 = %scan3A_5 to %scan3A_7 step %scan3A_8 iter_args(%scan3A_31 = %scan3A) -> (i32)  : i32 {
      %mul3A_32 = arith.constant 2 : i32
      %mul3A_33 = arith.muli %mul3A_32, %scan3A_30 : i32
      %add3A_34 = arith.constant 0 : i32
      %add3A_35 = arith.addi %mul3A_33, %add3A_34 : i32
      %mul3A_36 = arith.constant 400 : i32
      %mul3A_37 = arith.muli %add3A_35, %mul3A_36 : i32
      %add3A_38 = arith.addi %mul3A_2, %mul3A_37 : i32
      %gt3A = arith.constant 0 : i32
      %gt3A_39 = arith.cmpi sgt, %scan3A_30, %gt3A : i32
      %convert_element_type3A_40 = arith.extui %gt3A_39 : i1 to i32
      %cond3A_41 = arith.constant 0 : i32
      %cond3A_42 = arith.cmpi ne, %convert_element_type3A_40, %cond3A_41 : i32
      scf.if %cond3A_42 {
        %sub3A_68 = arith.constant 800 : i32
        %sub3A_69 = arith.subi %add3A_38, %sub3A_68 : i32
        %dma_wait3A_70 = arith.constant 0 : i32
        %dma_wait3A_71 = tpu.memref_slice %arg4[%sub3A_69, %dma_wait3A_70] : memref<320000x128xf32, #tpu.memory_space<hbm>> -> memref<400x128xf32, #tpu.memory_space<hbm>>
        %dma_wait3A_72 = arith.constant 0 : i32
        %dma_wait3A_73 = tpu.memref_slice %arg4[%sub3A_69, %dma_wait3A_72] : memref<320000x128xf32, #tpu.memory_space<hbm>> -> memref<400x128xf32, #tpu.memory_space<hbm>>
        tpu.wait_dma2 semaphore(%arg9 : memref<!tpu.dma_semaphore, #tpu.memory_space<semaphore_mem>>) src(%arg6 : memref<400x128xf32, #tpu.memory_space<vmem>>) dst(%dma_wait3A_73 : memref<400x128xf32, #tpu.memory_space<hbm>>)
      } else {
      }
      %mul3A_43 = arith.constant 400 : i32
      %mul3A_44 = arith.muli %add3A_35, %mul3A_43 : i32
      "tpu.region"() ({
        %run_scoped3A = tpu.sem_alloc : memref<!tpu.dma_semaphore, #tpu.memory_space<semaphore_mem>>
        %dma_start3A_68 = tpu.memref_slice %arg5[%mul3A_44] : memref<10000xi32, #tpu.memory_space<vmem>> -> memref<400xi32, #tpu.memory_space<vmem>>
        %dma_start3A_69 = arith.constant 0 : i32
        %dma_start3A_70 = arith.constant 0 : i32
        %dma_start3A_71 = tpu.memref_slice %arg8[%dma_start3A_69, %dma_start3A_70] : memref<64x128xf32, #tpu.memory_space<vmem_shared>> -> memref<64x128xf32, #tpu.memory_space<vmem_shared>>
        tpu.enqueue_indirect_dma source(%dma_start3A_71 : memref<64x128xf32, #tpu.memory_space<vmem_shared>>) target(%arg6 : memref<400x128xf32, #tpu.memory_space<vmem>>) offsets(%dma_start3A_68 : memref<400xi32, #tpu.memory_space<vmem>>) semaphore(%run_scoped3A : memref<!tpu.dma_semaphore, #tpu.memory_space<semaphore_mem>>)
        %dma_wait3A_72 = tpu.memref_slice %arg5[%mul3A_44] : memref<10000xi32, #tpu.memory_space<vmem>> -> memref<400xi32, #tpu.memory_space<vmem>>
        %dma_wait3A_73 = arith.constant 0 : i32
        %dma_wait3A_74 = arith.constant 0 : i32
        %dma_wait3A_75 = tpu.memref_slice %arg8[%dma_wait3A_73, %dma_wait3A_74] : memref<64x128xf32, #tpu.memory_space<vmem_shared>> -> memref<64x128xf32, #tpu.memory_space<vmem_shared>>
        tpu.wait_indirect_dma semaphore(%run_scoped3A : memref<!tpu.dma_semaphore, #tpu.memory_space<semaphore_mem>>) src(%dma_wait3A_75 : memref<64x128xf32, #tpu.memory_space<vmem_shared>>) dst(%arg6 : memref<400x128xf32, #tpu.memory_space<vmem>>)
        tpu.yield
      }) : () -> ()
      %dma_start3A_45 = arith.constant 0 : i32
      %dma_start3A_46 = tpu.memref_slice %arg4[%add3A_38, %dma_start3A_45] : memref<320000x128xf32, #tpu.memory_space<hbm>> -> memref<400x128xf32, #tpu.memory_space<hbm>>
      %dma_start3A_47 = arith.constant 0 : i32
      %dma_start3A_48 = tpu.memref_slice %arg4[%add3A_38, %dma_start3A_47] : memref<320000x128xf32, #tpu.memory_space<hbm>> -> memref<400x128xf32, #tpu.memory_space<hbm>>
      tpu.enqueue_dma source(%arg6 : memref<400x128xf32, #tpu.memory_space<vmem>>) target(%dma_start3A_48 : memref<400x128xf32, #tpu.memory_space<hbm>>) target_semaphore(%arg9 : memref<!tpu.dma_semaphore, #tpu.memory_space<semaphore_mem>>)
      %mul3A_49 = arith.constant 2 : i32
      %mul3A_50 = arith.muli %mul3A_49, %scan3A_30 : i32
      %add3A_51 = arith.constant 1 : i32
      %add3A_52 = arith.addi %mul3A_50, %add3A_51 : i32
      %mul3A_53 = arith.constant 400 : i32
      %mul3A_54 = arith.muli %add3A_52, %mul3A_53 : i32
      %add3A_55 = arith.addi %mul3A_2, %mul3A_54 : i32
      %gt3A_56 = arith.constant 0 : i32
      %gt3A_57 = arith.cmpi sgt, %scan3A_30, %gt3A_56 : i32
      %convert_element_type3A_58 = arith.extui %gt3A_57 : i1 to i32
      %cond3A_59 = arith.constant 0 : i32
      %cond3A_60 = arith.cmpi ne, %convert_element_type3A_58, %cond3A_59 : i32
      scf.if %cond3A_60 {
        %sub3A_68 = arith.constant 800 : i32
        %sub3A_69 = arith.subi %add3A_55, %sub3A_68 : i32
        %dma_wait3A_70 = arith.constant 0 : i32
        %dma_wait3A_71 = tpu.memref_slice %arg4[%sub3A_69, %dma_wait3A_70] : memref<320000x128xf32, #tpu.memory_space<hbm>> -> memref<400x128xf32, #tpu.memory_space<hbm>>
        %dma_wait3A_72 = arith.constant 0 : i32
        %dma_wait3A_73 = tpu.memref_slice %arg4[%sub3A_69, %dma_wait3A_72] : memref<320000x128xf32, #tpu.memory_space<hbm>> -> memref<400x128xf32, #tpu.memory_space<hbm>>
        tpu.wait_dma2 semaphore(%arg10 : memref<!tpu.dma_semaphore, #tpu.memory_space<semaphore_mem>>) src(%arg7 : memref<400x128xf32, #tpu.memory_space<vmem>>) dst(%dma_wait3A_73 : memref<400x128xf32, #tpu.memory_space<hbm>>)
      } else {
      }
      %mul3A_61 = arith.constant 400 : i32
      %mul3A_62 = arith.muli %add3A_52, %mul3A_61 : i32
      "tpu.region"() ({
        %run_scoped3A = tpu.sem_alloc : memref<!tpu.dma_semaphore, #tpu.memory_space<semaphore_mem>>
        %dma_start3A_68 = tpu.memref_slice %arg5[%mul3A_62] : memref<10000xi32, #tpu.memory_space<vmem>> -> memref<400xi32, #tpu.memory_space<vmem>>
        %dma_start3A_69 = arith.constant 0 : i32
        %dma_start3A_70 = arith.constant 0 : i32
        %dma_start3A_71 = tpu.memref_slice %arg8[%dma_start3A_69, %dma_start3A_70] : memref<64x128xf32, #tpu.memory_space<vmem_shared>> -> memref<64x128xf32, #tpu.memory_space<vmem_shared>>
        tpu.enqueue_indirect_dma source(%dma_start3A_71 : memref<64x128xf32, #tpu.memory_space<vmem_shared>>) target(%arg7 : memref<400x128xf32, #tpu.memory_space<vmem>>) offsets(%dma_start3A_68 : memref<400xi32, #tpu.memory_space<vmem>>) semaphore(%run_scoped3A : memref<!tpu.dma_semaphore, #tpu.memory_space<semaphore_mem>>)
        %dma_wait3A_72 = tpu.memref_slice %arg5[%mul3A_62] : memref<10000xi32, #tpu.memory_space<vmem>> -> memref<400xi32, #tpu.memory_space<vmem>>
        %dma_wait3A_73 = arith.constant 0 : i32
        %dma_wait3A_74 = arith.constant 0 : i32
        %dma_wait3A_75 = tpu.memref_slice %arg8[%dma_wait3A_73, %dma_wait3A_74] : memref<64x128xf32, #tpu.memory_space<vmem_shared>> -> memref<64x128xf32, #tpu.memory_space<vmem_shared>>
        tpu.wait_indirect_dma semaphore(%run_scoped3A : memref<!tpu.dma_semaphore, #tpu.memory_space<semaphore_mem>>) src(%dma_wait3A_75 : memref<64x128xf32, #tpu.memory_space<vmem_shared>>) dst(%arg7 : memref<400x128xf32, #tpu.memory_space<vmem>>)
        tpu.yield
      }) : () -> ()
      %dma_start3A_63 = arith.constant 0 : i32
      %dma_start3A_64 = tpu.memref_slice %arg4[%add3A_55, %dma_start3A_63] : memref<320000x128xf32, #tpu.memory_space<hbm>> -> memref<400x128xf32, #tpu.memory_space<hbm>>
      %dma_start3A_65 = arith.constant 0 : i32
      %dma_start3A_66 = tpu.memref_slice %arg4[%add3A_55, %dma_start3A_65] : memref<320000x128xf32, #tpu.memory_space<hbm>> -> memref<400x128xf32, #tpu.memory_space<hbm>>
      tpu.enqueue_dma source(%arg7 : memref<400x128xf32, #tpu.memory_space<vmem>>) target(%dma_start3A_66 : memref<400x128xf32, #tpu.memory_space<hbm>>) target_semaphore(%arg10 : memref<!tpu.dma_semaphore, #tpu.memory_space<semaphore_mem>>)
      %scan3A_67 = arith.constant 0 : i32
      scf.yield %scan3A_67 : i32
    }
    %scan3A_10 = arith.constant 12 : i32
    %add3A_11 = arith.constant 9600 : i32
    %add3A_12 = arith.addi %mul3A_2, %add3A_11 : i32
    %sub3A = arith.constant 800 : i32
    %sub3A_13 = arith.subi %add3A_12, %sub3A : i32
    %dma_wait3A = arith.constant 0 : i32
    %dma_wait3A_14 = tpu.memref_slice %arg4[%sub3A_13, %dma_wait3A] : memref<320000x128xf32, #tpu.memory_space<hbm>> -> memref<400x128xf32, #tpu.memory_space<hbm>>
    %dma_wait3A_15 = arith.constant 0 : i32
    %dma_wait3A_16 = tpu.memref_slice %arg4[%sub3A_13, %dma_wait3A_15] : memref<320000x128xf32, #tpu.memory_space<hbm>> -> memref<400x128xf32, #tpu.memory_space<hbm>>
    tpu.wait_dma2 semaphore(%arg9 : memref<!tpu.dma_semaphore, #tpu.memory_space<semaphore_mem>>) src(%arg6 : memref<400x128xf32, #tpu.memory_space<vmem>>) dst(%dma_wait3A_16 : memref<400x128xf32, #tpu.memory_space<hbm>>)
    "tpu.region"() ({
      %run_scoped3A = tpu.sem_alloc : memref<!tpu.dma_semaphore, #tpu.memory_space<semaphore_mem>>
      %dma_start3A_30 = arith.constant 9600 : i32
      %dma_start3A_31 = tpu.memref_slice %arg5[%dma_start3A_30] : memref<10000xi32, #tpu.memory_space<vmem>> -> memref<400xi32, #tpu.memory_space<vmem>>
      %dma_start3A_32 = arith.constant 0 : i32
      %dma_start3A_33 = arith.constant 0 : i32
      %dma_start3A_34 = tpu.memref_slice %arg8[%dma_start3A_32, %dma_start3A_33] : memref<64x128xf32, #tpu.memory_space<vmem_shared>> -> memref<64x128xf32, #tpu.memory_space<vmem_shared>>
      tpu.enqueue_indirect_dma source(%dma_start3A_34 : memref<64x128xf32, #tpu.memory_space<vmem_shared>>) target(%arg6 : memref<400x128xf32, #tpu.memory_space<vmem>>) offsets(%dma_start3A_31 : memref<400xi32, #tpu.memory_space<vmem>>) semaphore(%run_scoped3A : memref<!tpu.dma_semaphore, #tpu.memory_space<semaphore_mem>>)
      %dma_wait3A_35 = arith.constant 9600 : i32
      %dma_wait3A_36 = tpu.memref_slice %arg5[%dma_wait3A_35] : memref<10000xi32, #tpu.memory_space<vmem>> -> memref<400xi32, #tpu.memory_space<vmem>>
      %dma_wait3A_37 = arith.constant 0 : i32
      %dma_wait3A_38 = arith.constant 0 : i32
      %dma_wait3A_39 = tpu.memref_slice %arg8[%dma_wait3A_37, %dma_wait3A_38] : memref<64x128xf32, #tpu.memory_space<vmem_shared>> -> memref<64x128xf32, #tpu.memory_space<vmem_shared>>
      tpu.wait_indirect_dma semaphore(%run_scoped3A : memref<!tpu.dma_semaphore, #tpu.memory_space<semaphore_mem>>) src(%dma_wait3A_39 : memref<64x128xf32, #tpu.memory_space<vmem_shared>>) dst(%arg6 : memref<400x128xf32, #tpu.memory_space<vmem>>)
      tpu.yield
    }) : () -> ()
    %dma_start3A = arith.constant 0 : i32
    %dma_start3A_17 = tpu.memref_slice %arg4[%add3A_12, %dma_start3A] : memref<320000x128xf32, #tpu.memory_space<hbm>> -> memref<400x128xf32, #tpu.memory_space<hbm>>
    %dma_start3A_18 = arith.constant 0 : i32
    %dma_start3A_19 = tpu.memref_slice %arg4[%add3A_12, %dma_start3A_18] : memref<320000x128xf32, #tpu.memory_space<hbm>> -> memref<400x128xf32, #tpu.memory_space<hbm>>
    tpu.enqueue_dma source(%arg6 : memref<400x128xf32, #tpu.memory_space<vmem>>) target(%dma_start3A_19 : memref<400x128xf32, #tpu.memory_space<hbm>>) target_semaphore(%arg9 : memref<!tpu.dma_semaphore, #tpu.memory_space<semaphore_mem>>)
    %dma_wait3A_20 = arith.constant 0 : i32
    %dma_wait3A_21 = tpu.memref_slice %arg4[%add3A_12, %dma_wait3A_20] : memref<320000x128xf32, #tpu.memory_space<hbm>> -> memref<400x128xf32, #tpu.memory_space<hbm>>
    %dma_wait3A_22 = arith.constant 0 : i32
    %dma_wait3A_23 = tpu.memref_slice %arg4[%add3A_12, %dma_wait3A_22] : memref<320000x128xf32, #tpu.memory_space<hbm>> -> memref<400x128xf32, #tpu.memory_space<hbm>>
    tpu.wait_dma2 semaphore(%arg9 : memref<!tpu.dma_semaphore, #tpu.memory_space<semaphore_mem>>) src(%arg6 : memref<400x128xf32, #tpu.memory_space<vmem>>) dst(%dma_wait3A_23 : memref<400x128xf32, #tpu.memory_space<hbm>>)
    %sub3A_24 = arith.constant 400 : i32
    %sub3A_25 = arith.subi %add3A_12, %sub3A_24 : i32
    %dma_wait3A_26 = arith.constant 0 : i32
    %dma_wait3A_27 = tpu.memref_slice %arg4[%sub3A_25, %dma_wait3A_26] : memref<320000x128xf32, #tpu.memory_space<hbm>> -> memref<400x128xf32, #tpu.memory_space<hbm>>
    %dma_wait3A_28 = arith.constant 0 : i32
    %dma_wait3A_29 = tpu.memref_slice %arg4[%sub3A_25, %dma_wait3A_28] : memref<320000x128xf32, #tpu.memory_space<hbm>> -> memref<400x128xf32, #tpu.memory_space<hbm>>
    tpu.wait_dma2 semaphore(%arg10 : memref<!tpu.dma_semaphore, #tpu.memory_space<semaphore_mem>>) src(%arg7 : memref<400x128xf32, #tpu.memory_space<vmem>>) dst(%dma_wait3A_29 : memref<400x128xf32, #tpu.memory_space<hbm>>)
    return
  }
}

module attributes {stable_mosaic.version = 14 : i64} {
  func.func @_prep_body(%arg0: i32, %arg1: memref<16000x3xi32, #tpu.memory_space<vmem>>, %arg2: memref<5x128xf32, #tpu.memory_space<vmem>>, %arg3: memref<6x128xf32, #tpu.memory_space<vmem>>, %arg4: memref<2x128xf32, #tpu.memory_space<vmem>>, %arg5: memref<2500x128xi32, #tpu.memory_space<vmem>>, %arg6: memref<64x128xf32, #tpu.memory_space<vmem>>) attributes {dimension_semantics = [#tpu.dimension_semantics<arbitrary>], iteration_bounds = array<i64: 20>, scalar_prefetch = 0 : i64, scratch_operands = 0 : i64, tpu.core_type = #tpu.core_type<tc>, window_params = [{transform_indices = @transform_0, window_bounds = array<i64: 16000, 3>}, {pipeline_mode = #tpu.pipeline_mode<synchronous>, transform_indices = @transform_1, window_bounds = array<i64: 5, 128>}, {pipeline_mode = #tpu.pipeline_mode<synchronous>, transform_indices = @transform_2, window_bounds = array<i64: 6, 128>}, {pipeline_mode = #tpu.pipeline_mode<synchronous>, transform_indices = @transform_3, window_bounds = array<i64: 2, 128>}, {pipeline_mode = #tpu.pipeline_mode<synchronous>, transform_indices = @transform_4, window_bounds = array<i64: 2500, 128>}, {pipeline_mode = #tpu.pipeline_mode<synchronous>, transform_indices = @transform_5, window_bounds = array<i64: 64, 128>}]} {
    %iota3A = tpu.iota {dimensions = array<i32: 0>} : vector<8x1xi32>
    %eq3A = arith.constant 0 : i32
    %eq3A_0 = vector.broadcast %eq3A : i32 to vector<8x1xi32>
    %eq3A_1 = arith.cmpi eq, %iota3A, %eq3A_0 : vector<8x1xi32>
    %eq3A_2 = arith.constant 1 : i32
    %eq3A_3 = vector.broadcast %eq3A_2 : i32 to vector<8x1xi32>
    %eq3A_4 = arith.cmpi eq, %iota3A, %eq3A_3 : vector<8x1xi32>
    %eq3A_5 = arith.constant 2 : i32
    %eq3A_6 = vector.broadcast %eq3A_5 : i32 to vector<8x1xi32>
    %eq3A_7 = arith.cmpi eq, %iota3A, %eq3A_6 : vector<8x1xi32>
    %jit3A = arith.constant 1.000000e+00 : f32
    %jit3A_8 = arith.constant 0.000000e+00 : f32
    %broadcast_in_dim3A = vector.broadcast %jit3A : f32 to vector<8x1xf32>
    %broadcast_in_dim3A_9 = vector.broadcast %jit3A_8 : f32 to vector<8x1xf32>
    %select_n3A = arith.select %eq3A_7, %broadcast_in_dim3A, %broadcast_in_dim3A_9 : vector<8x1xi1>, vector<8x1xf32>
    %jit3A_10 = arith.constant 2.000000e+00 : f32
    %broadcast_in_dim3A_11 = vector.broadcast %jit3A_10 : f32 to vector<8x1xf32>
    %select_n3A_12 = arith.select %eq3A_4, %broadcast_in_dim3A_11, %select_n3A : vector<8x1xi1>, vector<8x1xf32>
    %jit3A_13 = arith.constant 1.200000e+01 : f32
    %broadcast_in_dim3A_14 = vector.broadcast %jit3A_13 : f32 to vector<8x1xf32>
    %select_n3A_15 = arith.select %eq3A_1, %broadcast_in_dim3A_14, %select_n3A_12 : vector<8x1xi1>, vector<8x1xf32>
    %get3A = arith.constant 0 : index
    %get3A_16 = arith.constant 0 : index
    %get3A_17 = vector.load %arg1[%get3A, %get3A_16] : memref<16000x3xi32, #tpu.memory_space<vmem>>, vector<16000x3xi32>
    %convert_element_type3A = arith.sitofp %get3A_17 : vector<16000x3xi32> to vector<16000x3xf32>
    %jit3A_18 = arith.constant 0 : i32
    %convert_element_type3A_19 = arith.sitofp %jit3A_18 : i32 to f32
    %pad3A = vector.broadcast %convert_element_type3A_19 : f32 to vector<16000x5xf32>
    %pad3A_20 = tpu.concatenate %convert_element_type3A, %pad3A in 1 : vector<16000x3xf32>, vector<16000x5xf32> -> vector<16000x8xf32>
    %dot_general3A = arith.constant dense<0.000000e+00> : vector<16000x1xf32>
    %dot_general3A_21 = tpu.matmul %pad3A_20, %select_n3A_15, %dot_general3A {dimension_numbers = #tpu.dot_dimension_numbers<[1], [0], [0], [1], [0, 0, 1, 1], [], []>, transpose_lhs_hint = false} : vector<16000x8xf32>, vector<8x1xf32>, vector<16000x1xf32> -> vector<16000x1xf32>
    %reshape3A = vector.shape_cast %dot_general3A_21 : vector<16000x1xf32> to vector<125x128xf32>
    %convert_element_type3A_22 = arith.fptosi %reshape3A : vector<125x128xf32> to vector<125x128xi32>
    %mul3A = arith.constant 125 : i32
    %mul3A_23 = arith.muli %arg0, %mul3A : i32
    %swap3A = arith.index_cast %mul3A_23 : i32 to index
    %swap3A_24 = arith.constant 0 : index
    %swap3A_25 = vector.load %arg5[%swap3A, %swap3A_24] : memref<2500x128xi32, #tpu.memory_space<vmem>>, vector<125x128xi32>
    tpu.vector_store %arg5[%swap3A, %swap3A_24], %convert_element_type3A_22 {strides = array<i32>} : memref<2500x128xi32, #tpu.memory_space<vmem>>, vector<125x128xi32>,
    %eq3A_26 = arith.constant 0 : i32
    %eq3A_27 = arith.cmpi eq, %arg0, %eq3A_26 : i32
    %convert_element_type3A_28 = arith.extui %eq3A_27 : i1 to i32
    %cond3A = arith.constant 0 : i32
    %cond3A_29 = arith.cmpi ne, %convert_element_type3A_28, %cond3A : i32
    scf.if %cond3A_29 {
      %get3A_30 = arith.constant 0 : index
      %get3A_31 = arith.constant 0 : index
      %get3A_32 = vector.load %arg2[%get3A_30, %get3A_31] : memref<5x128xf32, #tpu.memory_space<vmem>>, vector<5x128xf32>
      %get3A_33 = arith.constant 0 : index
      %get3A_34 = arith.constant 0 : index
      %get3A_35 = vector.load %arg3[%get3A_33, %get3A_34] : memref<6x128xf32, #tpu.memory_space<vmem>>, vector<6x128xf32>
      %get3A_36 = arith.constant 0 : index
      %get3A_37 = arith.constant 0 : index
      %get3A_38 = vector.load %arg4[%get3A_36, %get3A_37] : memref<2x128xf32, #tpu.memory_space<vmem>>, vector<2x128xf32>
      %broadcast_in_dim3A_39 = arith.constant 0.000000e+00 : f32
      %broadcast_in_dim3A_40 = vector.broadcast %broadcast_in_dim3A_39 : f32 to vector<3x128xf32>
      %concatenate3A = tpu.concatenate %get3A_32, %get3A_35, %get3A_38, %broadcast_in_dim3A_40 in 0 : vector<5x128xf32>, vector<6x128xf32>, vector<2x128xf32>, vector<3x128xf32> -> vector<16x128xf32>
      %iota3A_41 = tpu.iota {dimensions = array<i32: 0>} : vector<64x1xi32>
      %iota3A_42 = tpu.iota {dimensions = array<i32: 1>} : vector<64x16xi32>
      %jit3A_43 = arith.constant 12 : i32
      %div3A = vector.broadcast %jit3A_43 : i32 to vector<64x1xi32>
      %div3A_44 = arith.divsi %iota3A_41, %div3A : vector<64x1xi32>
      %sign3A = arith.constant 0 : i32
      %sign3A_45 = vector.broadcast %sign3A : i32 to vector<64x1xi32>
      %sign3A_46 = arith.cmpi sgt, %iota3A_41, %sign3A_45 : vector<64x1xi32>
      %sign3A_47 = arith.extui %sign3A_46 : vector<64x1xi1> to vector<64x1xi32>
      %sign3A_48 = arith.constant 0 : i32
      %sign3A_49 = vector.broadcast %sign3A_48 : i32 to vector<64x1xi32>
      %sign3A_50 = arith.cmpi slt, %iota3A_41, %sign3A_49 : vector<64x1xi32>
      %sign3A_51 = arith.extui %sign3A_50 : vector<64x1xi1> to vector<64x1xi32>
      %sign3A_52 = arith.subi %sign3A_47, %sign3A_51 : vector<64x1xi32>
      %sign3A_53 = arith.constant 0 : i32
      %sign3A_54 = arith.cmpi sgt, %jit3A_43, %sign3A_53 : i32
      %sign3A_55 = arith.extui %sign3A_54 : i1 to i32
      %sign3A_56 = arith.constant 0 : i32
      %sign3A_57 = arith.cmpi slt, %jit3A_43, %sign3A_56 : i32
      %sign3A_58 = arith.extui %sign3A_57 : i1 to i32
      %sign3A_59 = arith.subi %sign3A_55, %sign3A_58 : i32
      %ne3A = vector.broadcast %sign3A_59 : i32 to vector<64x1xi32>
      %ne3A_60 = arith.cmpi ne, %sign3A_52, %ne3A : vector<64x1xi32>
      %rem3A = vector.broadcast %jit3A_43 : i32 to vector<64x1xi32>
      %rem3A_61 = arith.remsi %iota3A_41, %rem3A : vector<64x1xi32>
      %ne3A_62 = arith.constant 0 : i32
      %ne3A_63 = vector.broadcast %ne3A_62 : i32 to vector<64x1xi32>
      %ne3A_64 = arith.cmpi ne, %rem3A_61, %ne3A_63 : vector<64x1xi32>
      %and3A = arith.andi %ne3A_60, %ne3A_64 : vector<64x1xi1>
      %sub3A = arith.constant 1 : i32
      %sub3A_65 = vector.broadcast %sub3A : i32 to vector<64x1xi32>
      %sub3A_66 = arith.subi %div3A_44, %sub3A_65 : vector<64x1xi32>
      %select_n3A_67 = arith.select %and3A, %sub3A_66, %div3A_44 : vector<64x1xi1>, vector<64x1xi32>
      %eq3A_68 = vector.broadcast %select_n3A_67 : vector<64x1xi32> to vector<64x16xi32>
      %eq3A_69 = arith.cmpi eq, %iota3A_42, %eq3A_68 : vector<64x16xi32>
      %convert_element_type3A_70 = arith.extui %eq3A_69 : vector<64x16xi1> to vector<64x16xi32>
      %convert_element_type3A_71 = arith.sitofp %convert_element_type3A_70 : vector<64x16xi32> to vector<64x16xf32>
      %jit3A_72 = arith.constant 12 : i32
      %eq3A_73 = arith.constant 0 : i32
      %eq3A_74 = arith.cmpi eq, %jit3A_72, %eq3A_73 : i32
      %jit3A_75 = arith.constant 1 : i32
      %select_n3A_76 = arith.select %eq3A_74, %jit3A_75, %jit3A_72 : i32
      %rem3A_77 = vector.broadcast %select_n3A_76 : i32 to vector<64x1xi32>
      %rem3A_78 = arith.remsi %iota3A_41, %rem3A_77 : vector<64x1xi32>
      %ne3A_79 = arith.constant 0 : i32
      %ne3A_80 = vector.broadcast %ne3A_79 : i32 to vector<64x1xi32>
      %ne3A_81 = arith.cmpi ne, %rem3A_78, %ne3A_80 : vector<64x1xi32>
      %lt3A = arith.constant 0 : i32
      %lt3A_82 = vector.broadcast %lt3A : i32 to vector<64x1xi32>
      %lt3A_83 = arith.cmpi slt, %rem3A_78, %lt3A_82 : vector<64x1xi32>
      %lt3A_84 = arith.constant 0 : i32
      %lt3A_85 = arith.cmpi slt, %select_n3A_76, %lt3A_84 : i32
      %ne3A_86 = vector.broadcast %lt3A_85 : i1 to vector<64x1xi1>
      %ne3A_87 = vector.broadcast %ne3A_86 : vector<64x1xi1> to vector<64x1xi1>
      %ne3A_88 = arith.xori %lt3A_83, %ne3A_87 : vector<64x1xi1>
      %and3A_89 = arith.andi %ne3A_88, %ne3A_81 : vector<64x1xi1>
      %add3A = vector.broadcast %select_n3A_76 : i32 to vector<64x1xi32>
      %add3A_90 = arith.addi %rem3A_78, %add3A : vector<64x1xi32>
      %select_n3A_91 = arith.select %and3A_89, %add3A_90, %rem3A_78 : vector<64x1xi1>, vector<64x1xi32>
      %jit3A_92 = arith.constant 2 : i32
      %div3A_93 = vector.broadcast %jit3A_92 : i32 to vector<64x1xi32>
      %div3A_94 = arith.divsi %select_n3A_91, %div3A_93 : vector<64x1xi32>
      %sign3A_95 = arith.constant 0 : i32
      %sign3A_96 = vector.broadcast %sign3A_95 : i32 to vector<64x1xi32>
      %sign3A_97 = arith.cmpi sgt, %select_n3A_91, %sign3A_96 : vector<64x1xi32>
      %sign3A_98 = arith.extui %sign3A_97 : vector<64x1xi1> to vector<64x1xi32>
      %sign3A_99 = arith.constant 0 : i32
      %sign3A_100 = vector.broadcast %sign3A_99 : i32 to vector<64x1xi32>
      %sign3A_101 = arith.cmpi slt, %select_n3A_91, %sign3A_100 : vector<64x1xi32>
      %sign3A_102 = arith.extui %sign3A_101 : vector<64x1xi1> to vector<64x1xi32>
      %sign3A_103 = arith.subi %sign3A_98, %sign3A_102 : vector<64x1xi32>
      %sign3A_104 = arith.constant 0 : i32
      %sign3A_105 = arith.cmpi sgt, %jit3A_92, %sign3A_104 : i32
      %sign3A_106 = arith.extui %sign3A_105 : i1 to i32
      %sign3A_107 = arith.constant 0 : i32
      %sign3A_108 = arith.cmpi slt, %jit3A_92, %sign3A_107 : i32
      %sign3A_109 = arith.extui %sign3A_108 : i1 to i32
      %sign3A_110 = arith.subi %sign3A_106, %sign3A_109 : i32
      %ne3A_111 = vector.broadcast %sign3A_110 : i32 to vector<64x1xi32>
      %ne3A_112 = arith.cmpi ne, %sign3A_103, %ne3A_111 : vector<64x1xi32>
      %rem3A_113 = vector.broadcast %jit3A_92 : i32 to vector<64x1xi32>
      %rem3A_114 = arith.remsi %select_n3A_91, %rem3A_113 : vector<64x1xi32>
      %ne3A_115 = arith.constant 0 : i32
      %ne3A_116 = vector.broadcast %ne3A_115 : i32 to vector<64x1xi32>
      %ne3A_117 = arith.cmpi ne, %rem3A_114, %ne3A_116 : vector<64x1xi32>
      %and3A_118 = arith.andi %ne3A_112, %ne3A_117 : vector<64x1xi1>
      %sub3A_119 = arith.constant 1 : i32
      %sub3A_120 = vector.broadcast %sub3A_119 : i32 to vector<64x1xi32>
      %sub3A_121 = arith.subi %div3A_94, %sub3A_120 : vector<64x1xi32>
      %select_n3A_122 = arith.select %and3A_118, %sub3A_121, %div3A_94 : vector<64x1xi1>, vector<64x1xi32>
      %add3A_123 = arith.constant 5 : i32
      %add3A_124 = vector.broadcast %add3A_123 : i32 to vector<64x1xi32>
      %add3A_125 = arith.addi %add3A_124, %select_n3A_122 : vector<64x1xi32>
      %eq3A_126 = vector.broadcast %add3A_125 : vector<64x1xi32> to vector<64x16xi32>
      %eq3A_127 = arith.cmpi eq, %iota3A_42, %eq3A_126 : vector<64x16xi32>
      %convert_element_type3A_128 = arith.extui %eq3A_127 : vector<64x16xi1> to vector<64x16xi32>
      %convert_element_type3A_129 = arith.sitofp %convert_element_type3A_128 : vector<64x16xi32> to vector<64x16xf32>
      %add3A_130 = arith.addf %convert_element_type3A_71, %convert_element_type3A_129 : vector<64x16xf32>
      %jit3A_131 = arith.constant 2 : i32
      %eq3A_132 = arith.constant 0 : i32
      %eq3A_133 = arith.cmpi eq, %jit3A_131, %eq3A_132 : i32
      %jit3A_134 = arith.constant 1 : i32
      %select_n3A_135 = arith.select %eq3A_133, %jit3A_134, %jit3A_131 : i32
      %rem3A_136 = vector.broadcast %select_n3A_135 : i32 to vector<64x1xi32>
      %rem3A_137 = arith.remsi %iota3A_41, %rem3A_136 : vector<64x1xi32>
      %ne3A_138 = arith.constant 0 : i32
      %ne3A_139 = vector.broadcast %ne3A_138 : i32 to vector<64x1xi32>
      %ne3A_140 = arith.cmpi ne, %rem3A_137, %ne3A_139 : vector<64x1xi32>
      %lt3A_141 = arith.constant 0 : i32
      %lt3A_142 = vector.broadcast %lt3A_141 : i32 to vector<64x1xi32>
      %lt3A_143 = arith.cmpi slt, %rem3A_137, %lt3A_142 : vector<64x1xi32>
      %lt3A_144 = arith.constant 0 : i32
      %lt3A_145 = arith.cmpi slt, %select_n3A_135, %lt3A_144 : i32
      %ne3A_146 = vector.broadcast %lt3A_145 : i1 to vector<64x1xi1>
      %ne3A_147 = vector.broadcast %ne3A_146 : vector<64x1xi1> to vector<64x1xi1>
      %ne3A_148 = arith.xori %lt3A_143, %ne3A_147 : vector<64x1xi1>
      %and3A_149 = arith.andi %ne3A_148, %ne3A_140 : vector<64x1xi1>
      %add3A_150 = vector.broadcast %select_n3A_135 : i32 to vector<64x1xi32>
      %add3A_151 = arith.addi %rem3A_137, %add3A_150 : vector<64x1xi32>
      %select_n3A_152 = arith.select %and3A_149, %add3A_151, %rem3A_137 : vector<64x1xi1>, vector<64x1xi32>
      %add3A_153 = arith.constant 11 : i32
      %add3A_154 = vector.broadcast %add3A_153 : i32 to vector<64x1xi32>
      %add3A_155 = arith.addi %add3A_154, %select_n3A_152 : vector<64x1xi32>
      %eq3A_156 = vector.broadcast %add3A_155 : vector<64x1xi32> to vector<64x16xi32>
      %eq3A_157 = arith.cmpi eq, %iota3A_42, %eq3A_156 : vector<64x16xi32>
      %convert_element_type3A_158 = arith.extui %eq3A_157 : vector<64x16xi1> to vector<64x16xi32>
      %convert_element_type3A_159 = arith.sitofp %convert_element_type3A_158 : vector<64x16xi32> to vector<64x16xf32>
      %add3A_160 = arith.addf %add3A_130, %convert_element_type3A_159 : vector<64x16xf32>
      %dot_general3A_161 = arith.constant dense<0.000000e+00> : vector<64x128xf32>
      %dot_general3A_162 = tpu.matmul %add3A_160, %concatenate3A, %dot_general3A_161 {dimension_numbers = #tpu.dot_dimension_numbers<[1], [0], [0], [1], [0, 0, 1, 1], [], []>, transpose_lhs_hint = false} : vector<64x16xf32>, vector<16x128xf32>, vector<64x128xf32> -> vector<64x128xf32>
      %swap3A_163 = arith.constant 0 : index
      %swap3A_164 = arith.constant 0 : index
      %swap3A_165 = vector.load %arg6[%swap3A_163, %swap3A_164] : memref<64x128xf32, #tpu.memory_space<vmem>>, vector<64x128xf32>
      tpu.vector_store %arg6[%swap3A_163, %swap3A_164], %dot_general3A_162 {strides = array<i32>} : memref<64x128xf32, #tpu.memory_space<vmem>>, vector<64x128xf32>,
    } else {
    }
    return
  }
  func.func @transform_0(%arg0: i32) -> (i32, i32) {
    %c0_i32 = arith.constant 0 : i32
    %c0_i32_0 = arith.constant 0 : i32
    return %arg0, %c0_i32 : i32, i32
  }
  func.func @transform_1(%arg0: i32) -> (i32, i32) {
    %c0_i32 = arith.constant 0 : i32
    %c0_i32_0 = arith.constant 0 : i32
    %c0_i32_1 = arith.constant 0 : i32
    return %c0_i32, %c0_i32_0 : i32, i32
  }
  func.func @transform_2(%arg0: i32) -> (i32, i32) {
    %c0_i32 = arith.constant 0 : i32
    %c0_i32_0 = arith.constant 0 : i32
    %c0_i32_1 = arith.constant 0 : i32
    return %c0_i32, %c0_i32_0 : i32, i32
  }
  func.func @transform_3(%arg0: i32) -> (i32, i32) {
    %c0_i32 = arith.constant 0 : i32
    %c0_i32_0 = arith.constant 0 : i32
    %c0_i32_1 = arith.constant 0 : i32
    return %c0_i32, %c0_i32_0 : i32, i32
  }
  func.func @transform_4(%arg0: i32) -> (i32, i32) {
    %c0_i32 = arith.constant 0 : i32
    %c0_i32_0 = arith.constant 0 : i32
    %c0_i32_1 = arith.constant 0 : i32
    return %c0_i32, %c0_i32_0 : i32, i32
  }
  func.func @transform_5(%arg0: i32) -> (i32, i32) {
    %c0_i32 = arith.constant 0 : i32
    %c0_i32_0 = arith.constant 0 : i32
    %c0_i32_1 = arith.constant 0 : i32
    return %c0_i32, %c0_i32_0 : i32, i32
  }
}

module attributes {stable_mosaic.version = 14 : i64} {
  func.func @_node_body(%arg0: i32, %arg1: memref<1000x9xi32, #tpu.memory_space<vmem>>, %arg2: memref<1000x20xf32, #tpu.memory_space<vmem>>, %arg3: memref<20x32xf32, #tpu.memory_space<vmem>>, %arg4: memref<32xf32, #tpu.memory_space<vmem>>, %arg5: memref<32x16xf32, #tpu.memory_space<vmem>>, %arg6: memref<16xf32, #tpu.memory_space<vmem>>, %arg7: memref<119x112xf32, #tpu.memory_space<vmem>>, %arg8: memref<4x112xf32, #tpu.memory_space<vmem>>, %arg9: memref<12x112xf32, #tpu.memory_space<vmem>>, %arg10: memref<12x112xf32, #tpu.memory_space<vmem>>, %arg11: memref<10x112xf32, #tpu.memory_space<vmem>>, %arg12: memref<6x112xf32, #tpu.memory_space<vmem>>, %arg13: memref<6x112xf32, #tpu.memory_space<vmem>>, %arg14: memref<2x112xf32, #tpu.memory_space<vmem>>, %arg15: memref<2x112xf32, #tpu.memory_space<vmem>>, %arg16: memref<1000x128xf32, #tpu.memory_space<vmem>>) attributes {dimension_semantics = [#tpu.dimension_semantics<arbitrary>], iteration_bounds = array<i64: 10>, scalar_prefetch = 0 : i64, scratch_operands = 0 : i64, tpu.core_type = #tpu.core_type<tc>, window_params = [{transform_indices = @transform_0, window_bounds = array<i64: 1000, 9>}, {transform_indices = @transform_1, window_bounds = array<i64: 1000, 20>}, {pipeline_mode = #tpu.pipeline_mode<synchronous>, transform_indices = @transform_2, window_bounds = array<i64: 20, 32>}, {pipeline_mode = #tpu.pipeline_mode<synchronous>, transform_indices = @transform_3, window_bounds = array<i64: 32>}, {pipeline_mode = #tpu.pipeline_mode<synchronous>, transform_indices = @transform_4, window_bounds = array<i64: 32, 16>}, {pipeline_mode = #tpu.pipeline_mode<synchronous>, transform_indices = @transform_5, window_bounds = array<i64: 16>}, {pipeline_mode = #tpu.pipeline_mode<synchronous>, transform_indices = @transform_6, window_bounds = array<i64: 119, 112>}, {pipeline_mode = #tpu.pipeline_mode<synchronous>, transform_indices = @transform_7, window_bounds = array<i64: 4, 112>}, {pipeline_mode = #tpu.pipeline_mode<synchronous>, transform_indices = @transform_8, window_bounds = array<i64: 12, 112>}, {pipeline_mode = #tpu.pipeline_mode<synchronous>, transform_indices = @transform_9, window_bounds = array<i64: 12, 112>}, {pipeline_mode = #tpu.pipeline_mode<synchronous>, transform_indices = @transform_10, window_bounds = array<i64: 10, 112>}, {pipeline_mode = #tpu.pipeline_mode<synchronous>, transform_indices = @transform_11, window_bounds = array<i64: 6, 112>}, {pipeline_mode = #tpu.pipeline_mode<synchronous>, transform_indices = @transform_12, window_bounds = array<i64: 6, 112>}, {pipeline_mode = #tpu.pipeline_mode<synchronous>, transform_indices = @transform_13, window_bounds = array<i64: 2, 112>}, {pipeline_mode = #tpu.pipeline_mode<synchronous>, transform_indices = @transform_14, window_bounds = array<i64: 2, 112>}, {transform_indices = @transform_15, window_bounds = array<i64: 1000, 128>}]} {
    %get3A = arith.constant 0 : index
    %get3A_0 = arith.constant 0 : index
    %get3A_1 = vector.load %arg7[%get3A, %get3A_0] : memref<119x112xf32, #tpu.memory_space<vmem>>, vector<119x112xf32>
    %get3A_2 = arith.constant 0 : index
    %get3A_3 = arith.constant 0 : index
    %get3A_4 = vector.load %arg8[%get3A_2, %get3A_3] : memref<4x112xf32, #tpu.memory_space<vmem>>, vector<4x112xf32>
    %get3A_5 = arith.constant 0 : index
    %get3A_6 = arith.constant 0 : index
    %get3A_7 = vector.load %arg9[%get3A_5, %get3A_6] : memref<12x112xf32, #tpu.memory_space<vmem>>, vector<12x112xf32>
    %get3A_8 = arith.constant 0 : index
    %get3A_9 = arith.constant 0 : index
    %get3A_10 = vector.load %arg10[%get3A_8, %get3A_9] : memref<12x112xf32, #tpu.memory_space<vmem>>, vector<12x112xf32>
    %get3A_11 = arith.constant 0 : index
    %get3A_12 = arith.constant 0 : index
    %get3A_13 = vector.load %arg11[%get3A_11, %get3A_12] : memref<10x112xf32, #tpu.memory_space<vmem>>, vector<10x112xf32>
    %get3A_14 = arith.constant 0 : index
    %get3A_15 = arith.constant 0 : index
    %get3A_16 = vector.load %arg12[%get3A_14, %get3A_15] : memref<6x112xf32, #tpu.memory_space<vmem>>, vector<6x112xf32>
    %get3A_17 = arith.constant 0 : index
    %get3A_18 = arith.constant 0 : index
    %get3A_19 = vector.load %arg13[%get3A_17, %get3A_18] : memref<6x112xf32, #tpu.memory_space<vmem>>, vector<6x112xf32>
    %get3A_20 = arith.constant 0 : index
    %get3A_21 = arith.constant 0 : index
    %get3A_22 = vector.load %arg14[%get3A_20, %get3A_21] : memref<2x112xf32, #tpu.memory_space<vmem>>, vector<2x112xf32>
    %get3A_23 = arith.constant 0 : index
    %get3A_24 = arith.constant 0 : index
    %get3A_25 = vector.load %arg15[%get3A_23, %get3A_24] : memref<2x112xf32, #tpu.memory_space<vmem>>, vector<2x112xf32>
    %broadcast_in_dim3A = arith.constant 0.000000e+00 : f32
    %broadcast_in_dim3A_26 = vector.broadcast %broadcast_in_dim3A : f32 to vector<3x112xf32>
    %concatenate3A = tpu.concatenate %get3A_1, %get3A_4, %get3A_7, %get3A_10, %get3A_13, %get3A_16, %get3A_19, %get3A_22, %get3A_25, %broadcast_in_dim3A_26 in 0 : vector<119x112xf32>, vector<4x112xf32>, vector<12x112xf32>, vector<12x112xf32>, vector<10x112xf32>, vector<6x112xf32>, vector<6x112xf32>, vector<2x112xf32>, vector<2x112xf32>, vector<3x112xf32> -> vector<176x112xf32>
    %get3A_27 = arith.constant 0 : index
    %get3A_28 = arith.constant 0 : index
    %get3A_29 = vector.load %arg1[%get3A_27, %get3A_28] : memref<1000x9xi32, #tpu.memory_space<vmem>>, vector<1000x9xi32>
    %iota3A = tpu.iota {dimensions = array<i32: 1>} : vector<1000x176xi32>
    %broadcast_in_dim3A_30 = arith.constant 0.000000e+00 : f32
    %broadcast_in_dim3A_31 = vector.broadcast %broadcast_in_dim3A_30 : f32 to vector<1000x176xf32>
    %slice3A = vector.extract_strided_slice %get3A_29 {offsets = [0, 0], sizes = [1000, 1], strides = [1, 1]} : vector<1000x9xi32> to vector<1000x1xi32>
    %add3A = arith.constant 0 : i32
    %add3A_32 = vector.broadcast %add3A : i32 to vector<1000x1xi32>
    %add3A_33 = arith.addi %slice3A, %add3A_32 : vector<1000x1xi32>
    %eq3A = vector.broadcast %add3A_33 : vector<1000x1xi32> to vector<1000x176xi32>
    %eq3A_34 = arith.cmpi eq, %iota3A, %eq3A : vector<1000x176xi32>
    %convert_element_type3A = arith.extui %eq3A_34 : vector<1000x176xi1> to vector<1000x176xi32>
    %convert_element_type3A_35 = arith.sitofp %convert_element_type3A : vector<1000x176xi32> to vector<1000x176xf32>
    %add3A_36 = arith.addf %broadcast_in_dim3A_31, %convert_element_type3A_35 : vector<1000x176xf32>
    %slice3A_37 = vector.extract_strided_slice %get3A_29 {offsets = [0, 1], sizes = [1000, 1], strides = [1, 1]} : vector<1000x9xi32> to vector<1000x1xi32>
    %add3A_38 = arith.constant 119 : i32
    %add3A_39 = vector.broadcast %add3A_38 : i32 to vector<1000x1xi32>
    %add3A_40 = arith.addi %slice3A_37, %add3A_39 : vector<1000x1xi32>
    %eq3A_41 = vector.broadcast %add3A_40 : vector<1000x1xi32> to vector<1000x176xi32>
    %eq3A_42 = arith.cmpi eq, %iota3A, %eq3A_41 : vector<1000x176xi32>
    %convert_element_type3A_43 = arith.extui %eq3A_42 : vector<1000x176xi1> to vector<1000x176xi32>
    %convert_element_type3A_44 = arith.sitofp %convert_element_type3A_43 : vector<1000x176xi32> to vector<1000x176xf32>
    %add3A_45 = arith.addf %add3A_36, %convert_element_type3A_44 : vector<1000x176xf32>
    %slice3A_46 = vector.extract_strided_slice %get3A_29 {offsets = [0, 2], sizes = [1000, 1], strides = [1, 1]} : vector<1000x9xi32> to vector<1000x1xi32>
    %add3A_47 = arith.constant 123 : i32
    %add3A_48 = vector.broadcast %add3A_47 : i32 to vector<1000x1xi32>
    %add3A_49 = arith.addi %slice3A_46, %add3A_48 : vector<1000x1xi32>
    %eq3A_50 = vector.broadcast %add3A_49 : vector<1000x1xi32> to vector<1000x176xi32>
    %eq3A_51 = arith.cmpi eq, %iota3A, %eq3A_50 : vector<1000x176xi32>
    %convert_element_type3A_52 = arith.extui %eq3A_51 : vector<1000x176xi1> to vector<1000x176xi32>
    %convert_element_type3A_53 = arith.sitofp %convert_element_type3A_52 : vector<1000x176xi32> to vector<1000x176xf32>
    %add3A_54 = arith.addf %add3A_45, %convert_element_type3A_53 : vector<1000x176xf32>
    %slice3A_55 = vector.extract_strided_slice %get3A_29 {offsets = [0, 3], sizes = [1000, 1], strides = [1, 1]} : vector<1000x9xi32> to vector<1000x1xi32>
    %add3A_56 = arith.constant 135 : i32
    %add3A_57 = vector.broadcast %add3A_56 : i32 to vector<1000x1xi32>
    %add3A_58 = arith.addi %slice3A_55, %add3A_57 : vector<1000x1xi32>
    %eq3A_59 = vector.broadcast %add3A_58 : vector<1000x1xi32> to vector<1000x176xi32>
    %eq3A_60 = arith.cmpi eq, %iota3A, %eq3A_59 : vector<1000x176xi32>
    %convert_element_type3A_61 = arith.extui %eq3A_60 : vector<1000x176xi1> to vector<1000x176xi32>
    %convert_element_type3A_62 = arith.sitofp %convert_element_type3A_61 : vector<1000x176xi32> to vector<1000x176xf32>
    %add3A_63 = arith.addf %add3A_54, %convert_element_type3A_62 : vector<1000x176xf32>
    %slice3A_64 = vector.extract_strided_slice %get3A_29 {offsets = [0, 4], sizes = [1000, 1], strides = [1, 1]} : vector<1000x9xi32> to vector<1000x1xi32>
    %add3A_65 = arith.constant 147 : i32
    %add3A_66 = vector.broadcast %add3A_65 : i32 to vector<1000x1xi32>
    %add3A_67 = arith.addi %slice3A_64, %add3A_66 : vector<1000x1xi32>
    %eq3A_68 = vector.broadcast %add3A_67 : vector<1000x1xi32> to vector<1000x176xi32>
    %eq3A_69 = arith.cmpi eq, %iota3A, %eq3A_68 : vector<1000x176xi32>
    %convert_element_type3A_70 = arith.extui %eq3A_69 : vector<1000x176xi1> to vector<1000x176xi32>
    %convert_element_type3A_71 = arith.sitofp %convert_element_type3A_70 : vector<1000x176xi32> to vector<1000x176xf32>
    %add3A_72 = arith.addf %add3A_63, %convert_element_type3A_71 : vector<1000x176xf32>
    %slice3A_73 = vector.extract_strided_slice %get3A_29 {offsets = [0, 5], sizes = [1000, 1], strides = [1, 1]} : vector<1000x9xi32> to vector<1000x1xi32>
    %add3A_74 = arith.constant 157 : i32
    %add3A_75 = vector.broadcast %add3A_74 : i32 to vector<1000x1xi32>
    %add3A_76 = arith.addi %slice3A_73, %add3A_75 : vector<1000x1xi32>
    %eq3A_77 = vector.broadcast %add3A_76 : vector<1000x1xi32> to vector<1000x176xi32>
    %eq3A_78 = arith.cmpi eq, %iota3A, %eq3A_77 : vector<1000x176xi32>
    %convert_element_type3A_79 = arith.extui %eq3A_78 : vector<1000x176xi1> to vector<1000x176xi32>
    %convert_element_type3A_80 = arith.sitofp %convert_element_type3A_79 : vector<1000x176xi32> to vector<1000x176xf32>
    %add3A_81 = arith.addf %add3A_72, %convert_element_type3A_80 : vector<1000x176xf32>
    %slice3A_82 = vector.extract_strided_slice %get3A_29 {offsets = [0, 6], sizes = [1000, 1], strides = [1, 1]} : vector<1000x9xi32> to vector<1000x1xi32>
    %add3A_83 = arith.constant 163 : i32
    %add3A_84 = vector.broadcast %add3A_83 : i32 to vector<1000x1xi32>
    %add3A_85 = arith.addi %slice3A_82, %add3A_84 : vector<1000x1xi32>
    %eq3A_86 = vector.broadcast %add3A_85 : vector<1000x1xi32> to vector<1000x176xi32>
    %eq3A_87 = arith.cmpi eq, %iota3A, %eq3A_86 : vector<1000x176xi32>
    %convert_element_type3A_88 = arith.extui %eq3A_87 : vector<1000x176xi1> to vector<1000x176xi32>
    %convert_element_type3A_89 = arith.sitofp %convert_element_type3A_88 : vector<1000x176xi32> to vector<1000x176xf32>
    %add3A_90 = arith.addf %add3A_81, %convert_element_type3A_89 : vector<1000x176xf32>
    %slice3A_91 = vector.extract_strided_slice %get3A_29 {offsets = [0, 7], sizes = [1000, 1], strides = [1, 1]} : vector<1000x9xi32> to vector<1000x1xi32>
    %add3A_92 = arith.constant 169 : i32
    %add3A_93 = vector.broadcast %add3A_92 : i32 to vector<1000x1xi32>
    %add3A_94 = arith.addi %slice3A_91, %add3A_93 : vector<1000x1xi32>
    %eq3A_95 = vector.broadcast %add3A_94 : vector<1000x1xi32> to vector<1000x176xi32>
    %eq3A_96 = arith.cmpi eq, %iota3A, %eq3A_95 : vector<1000x176xi32>
    %convert_element_type3A_97 = arith.extui %eq3A_96 : vector<1000x176xi1> to vector<1000x176xi32>
    %convert_element_type3A_98 = arith.sitofp %convert_element_type3A_97 : vector<1000x176xi32> to vector<1000x176xf32>
    %add3A_99 = arith.addf %add3A_90, %convert_element_type3A_98 : vector<1000x176xf32>
    %slice3A_100 = vector.extract_strided_slice %get3A_29 {offsets = [0, 8], sizes = [1000, 1], strides = [1, 1]} : vector<1000x9xi32> to vector<1000x1xi32>
    %add3A_101 = arith.constant 171 : i32
    %add3A_102 = vector.broadcast %add3A_101 : i32 to vector<1000x1xi32>
    %add3A_103 = arith.addi %slice3A_100, %add3A_102 : vector<1000x1xi32>
    %eq3A_104 = vector.broadcast %add3A_103 : vector<1000x1xi32> to vector<1000x176xi32>
    %eq3A_105 = arith.cmpi eq, %iota3A, %eq3A_104 : vector<1000x176xi32>
    %convert_element_type3A_106 = arith.extui %eq3A_105 : vector<1000x176xi1> to vector<1000x176xi32>
    %convert_element_type3A_107 = arith.sitofp %convert_element_type3A_106 : vector<1000x176xi32> to vector<1000x176xf32>
    %add3A_108 = arith.addf %add3A_99, %convert_element_type3A_107 : vector<1000x176xf32>
    %dot_general3A = arith.constant dense<0.000000e+00> : vector<1000x112xf32>
    %dot_general3A_109 = tpu.matmul %add3A_108, %concatenate3A, %dot_general3A {dimension_numbers = #tpu.dot_dimension_numbers<[1], [0], [0], [1], [0, 0, 1, 1], [], []>, transpose_lhs_hint = false} : vector<1000x176xf32>, vector<176x112xf32>, vector<1000x112xf32> -> vector<1000x112xf32>
    %get3A_110 = arith.constant 0 : index
    %get3A_111 = arith.constant 0 : index
    %get3A_112 = vector.load %arg2[%get3A_110, %get3A_111] : memref<1000x20xf32, #tpu.memory_space<vmem>>, vector<1000x20xf32>
    %get3A_113 = arith.constant 0 : index
    %get3A_114 = arith.constant 0 : index
    %get3A_115 = vector.load %arg3[%get3A_113, %get3A_114] : memref<20x32xf32, #tpu.memory_space<vmem>>, vector<20x32xf32>
    %dot_general3A_116 = arith.constant dense<0.000000e+00> : vector<1000x32xf32>
    %dot_general3A_117 = tpu.matmul %get3A_112, %get3A_115, %dot_general3A_116 {dimension_numbers = #tpu.dot_dimension_numbers<[1], [0], [0], [1], [0, 0, 1, 1], [], []>, transpose_lhs_hint = false} : vector<1000x20xf32>, vector<20x32xf32>, vector<1000x32xf32> -> vector<1000x32xf32>
    %get3A_118 = arith.constant 0 : index
    %get3A_119 = vector.load %arg4[%get3A_118] : memref<32xf32, #tpu.memory_space<vmem>>, vector<32xf32>
    %reshape3A = vector.shape_cast %get3A_119 : vector<32xf32> to vector<1x32xf32>
    %add3A_120 = vector.broadcast %reshape3A : vector<1x32xf32> to vector<1000x32xf32>
    %add3A_121 = arith.addf %dot_general3A_117, %add3A_120 : vector<1000x32xf32>
    %max3A = arith.constant 0.000000e+00 : f32
    %max3A_122 = vector.broadcast %max3A : f32 to vector<1000x32xf32>
    %max3A_123 = arith.maximumf %add3A_121, %max3A_122 : vector<1000x32xf32>
    %get3A_124 = arith.constant 0 : index
    %get3A_125 = arith.constant 0 : index
    %get3A_126 = vector.load %arg5[%get3A_124, %get3A_125] : memref<32x16xf32, #tpu.memory_space<vmem>>, vector<32x16xf32>
    %dot_general3A_127 = arith.constant dense<0.000000e+00> : vector<1000x16xf32>
    %dot_general3A_128 = tpu.matmul %max3A_123, %get3A_126, %dot_general3A_127 {dimension_numbers = #tpu.dot_dimension_numbers<[1], [0], [0], [1], [0, 0, 1, 1], [], []>, transpose_lhs_hint = false} : vector<1000x32xf32>, vector<32x16xf32>, vector<1000x16xf32> -> vector<1000x16xf32>
    %get3A_129 = arith.constant 0 : index
    %get3A_130 = vector.load %arg6[%get3A_129] : memref<16xf32, #tpu.memory_space<vmem>>, vector<16xf32>
    %reshape3A_131 = vector.shape_cast %get3A_130 : vector<16xf32> to vector<1x16xf32>
    %add3A_132 = vector.broadcast %reshape3A_131 : vector<1x16xf32> to vector<1000x16xf32>
    %add3A_133 = arith.addf %dot_general3A_128, %add3A_132 : vector<1000x16xf32>
    %max3A_134 = arith.constant 0.000000e+00 : f32
    %max3A_135 = vector.broadcast %max3A_134 : f32 to vector<1000x16xf32>
    %max3A_136 = arith.maximumf %add3A_133, %max3A_135 : vector<1000x16xf32>
    %concatenate3A_137 = tpu.concatenate %dot_general3A_109, %max3A_136 in 1 : vector<1000x112xf32>, vector<1000x16xf32> -> vector<1000x128xf32>
    %swap3A = arith.constant 0 : index
    %swap3A_138 = arith.constant 0 : index
    %swap3A_139 = vector.load %arg16[%swap3A, %swap3A_138] : memref<1000x128xf32, #tpu.memory_space<vmem>>, vector<1000x128xf32>
    tpu.vector_store %arg16[%swap3A, %swap3A_138], %concatenate3A_137 {strides = array<i32>} : memref<1000x128xf32, #tpu.memory_space<vmem>>, vector<1000x128xf32>,
    return
  }
  func.func @transform_0(%arg0: i32) -> (i32, i32) {
    %c0_i32 = arith.constant 0 : i32
    %c0_i32_0 = arith.constant 0 : i32
    return %arg0, %c0_i32 : i32, i32
  }
  func.func @transform_1(%arg0: i32) -> (i32, i32) {
    %c0_i32 = arith.constant 0 : i32
    %c0_i32_0 = arith.constant 0 : i32
    return %arg0, %c0_i32 : i32, i32
  }
  func.func @transform_2(%arg0: i32) -> (i32, i32) {
    %c0_i32 = arith.constant 0 : i32
    %c0_i32_0 = arith.constant 0 : i32
    %c0_i32_1 = arith.constant 0 : i32
    return %c0_i32, %c0_i32_0 : i32, i32
  }
  func.func @transform_3(%arg0: i32) -> i32 {
    %c0_i32 = arith.constant 0 : i32
    %c0_i32_0 = arith.constant 0 : i32
    return %c0_i32 : i32
  }
  func.func @transform_4(%arg0: i32) -> (i32, i32) {
    %c0_i32 = arith.constant 0 : i32
    %c0_i32_0 = arith.constant 0 : i32
    %c0_i32_1 = arith.constant 0 : i32
    return %c0_i32, %c0_i32_0 : i32, i32
  }
  func.func @transform_5(%arg0: i32) -> i32 {
    %c0_i32 = arith.constant 0 : i32
    %c0_i32_0 = arith.constant 0 : i32
    return %c0_i32 : i32
  }
  func.func @transform_6(%arg0: i32) -> (i32, i32) {
    %c0_i32 = arith.constant 0 : i32
    %c0_i32_0 = arith.constant 0 : i32
    %c0_i32_1 = arith.constant 0 : i32
    return %c0_i32, %c0_i32_0 : i32, i32
  }
  func.func @transform_7(%arg0: i32) -> (i32, i32) {
    %c0_i32 = arith.constant 0 : i32
    %c0_i32_0 = arith.constant 0 : i32
    %c0_i32_1 = arith.constant 0 : i32
    return %c0_i32, %c0_i32_0 : i32, i32
  }
  func.func @transform_8(%arg0: i32) -> (i32, i32) {
    %c0_i32 = arith.constant 0 : i32
    %c0_i32_0 = arith.constant 0 : i32
    %c0_i32_1 = arith.constant 0 : i32
    return %c0_i32, %c0_i32_0 : i32, i32
  }
  func.func @transform_9(%arg0: i32) -> (i32, i32) {
    %c0_i32 = arith.constant 0 : i32
    %c0_i32_0 = arith.constant 0 : i32
    %c0_i32_1 = arith.constant 0 : i32
    return %c0_i32, %c0_i32_0 : i32, i32
  }
  func.func @transform_10(%arg0: i32) -> (i32, i32) {
    %c0_i32 = arith.constant 0 : i32
    %c0_i32_0 = arith.constant 0 : i32
    %c0_i32_1 = arith.constant 0 : i32
    return %c0_i32, %c0_i32_0 : i32, i32
  }
  func.func @transform_11(%arg0: i32) -> (i32, i32) {
    %c0_i32 = arith.constant 0 : i32
    %c0_i32_0 = arith.constant 0 : i32
    %c0_i32_1 = arith.constant 0 : i32
    return %c0_i32, %c0_i32_0 : i32, i32
  }
  func.func @transform_12(%arg0: i32) -> (i32, i32) {
    %c0_i32 = arith.constant 0 : i32
    %c0_i32_0 = arith.constant 0 : i32
    %c0_i32_1 = arith.constant 0 : i32
    return %c0_i32, %c0_i32_0 : i32, i32
  }
  func.func @transform_13(%arg0: i32) -> (i32, i32) {
    %c0_i32 = arith.constant 0 : i32
    %c0_i32_0 = arith.constant 0 : i32
    %c0_i32_1 = arith.constant 0 : i32
    return %c0_i32, %c0_i32_0 : i32, i32
  }
  func.func @transform_14(%arg0: i32) -> (i32, i32) {
    %c0_i32 = arith.constant 0 : i32
    %c0_i32_0 = arith.constant 0 : i32
    %c0_i32_1 = arith.constant 0 : i32
    return %c0_i32, %c0_i32_0 : i32, i32
  }
  func.func @transform_15(%arg0: i32) -> (i32, i32) {
    %c0_i32 = arith.constant 0 : i32
    %c0_i32_0 = arith.constant 0 : i32
    return %arg0, %c0_i32 : i32, i32
  }
}

</mosaic_0001>

<sc_bundles>
// kernel: kernel.5.cloned.1.call-start
scs
__scs_entry_jumppad:
0x0: {  	(pc) =	sbr.rel $0x88, $3  }
0x1: {  	(tag) =	ssettag $0x0;
	lr =	simm.s32 $0x1  }
0x2: {  	[smem:$0x3F8E] =	sst lr;
	_ =	strace $0xD0000000  }
0x3: {  	_ = 	snop  }
0x4: {  	_ = 	snop  }
0x5: {  	_ = 	snop  }
0x6: {  	_ = 	snop  }
0x7: {  	_ = 	snop  }
__scs_overlays_trampoline_lowered:
0x8: {  	[smem:$0x3F9D] =	sst s0  }
0x9: {  	[smem:$0x3F9E] =	sst s1  }
0xa: {  	[smem:$0x3F9F] =	sst s2  }
0xb: {  	[smem:$0x3FA0] =	sst s3  }
0xc: {  	[smem:$0x3FA1] =	sst s4  }
0xd: {  	[smem:$0x3FA2] =	sst s5  }
0xe: {  	[smem:$0x3FA3] =	sst s6  }
0xf: {  	[smem:$0x3FA4] =	sst s7  }
0x10: {  	[smem:$0x3FA5] =	sst s8  }
0x11: {  	[smem:$0x3FA6] =	sst s9;
	s0 =	simm.s32 @!p0 $0x0  }
0x12: {  	s1 =	sld [smem:$0x3F8C];
	s0 =	simm.s32 @p0 $0x1  }
0x13: {  	[smem:$0x3FA7] =	sst s0;
	s0 =	simm.s32 @!p1 $0x0  }
0x14: {  	s2 =	sld [smem:$0x3F8B];
	s0 =	simm.s32 @p1 $0x1  }
0x15: {  	[smem:$0x3FA8] =	sst s0;
	s0 =	simm.s32 @!p2 $0x0  }
0x16: {  	s3 =	sld [smem:$0x3FDB];
	s0 =	simm.s32 @p2 $0x1  }
0x17: {  	s4 =	simm.s32 $0x1BF5;
	[smem:$0x3FAA] =	sst s0  }
0x18: {  	s0 =	sld [smem:$0x3F8D];
	_ =	swait.ge [sflag:s4], $0x0  }
0x19: {  	s7 =	sld [smem:$0x3F8E]  }
0x1a: {  	s8 =	sadd.s32 $0xFFFFE003, lr  }
0x1b: {  	s9 =	sadd.s32 $0xFFFFFEF7, lr;
	s5 =	simm.s32 $0xFFFFFFFF;
	p2 =	slt.u32 s8, $0xFFFFF086  }
0x1c: {  	p1 =	slt.u32 s9, $0xF7A;
	s5 =	simm.s32 @!p2 $0x0  }
0x1d: {  	s5 =	simm.s32 @p1 $0x1;
	p0 =	seq.s32 s7, s2  }
0x1e: {  	s7 =	smul.u32 @!p0 $0xF7A, s2;
	p2 =	seq.s32 @!p0 s5, $0x0  }
0x1f: {  	s9 =	smul.u32 $0xF7A, s1;
	s8 =	simm.s32 @!p0 $0x1BF5;
	p2 =	por !p2, p0  }
0x20: {  	[sflag:s8] =	ssyncset.s32 @!p0 $0xFFFFF086;
	s6 =	sadd.s32 @!p0 s3, s7;
	s7 =	simm.s32 @!p0 $0x108  }
0x21: {  	s3 =	sadd.s32 s3, s9;
	s6 =	sadd.s32 @!p0 $0x88, s6;
	s7 =	simm.s32 @p2 $0x1082  }
0x22: {  	[simem:s7], [sflag:s8] =	dma.local @!p0 [hbm:s6], $0xF7A  }
0x23: {  	s9 =	sor.u32 $0xD0000000, s2;
	s6 =	simm.s32 $0x108;
	_ =	swait.ge @!p0 [sflag:s8], $0x0  }
0x24: {  	s3 =	sadd.s32 $0x88, s3;
	s6 =	simm.s32 @!p1 $0x1082;
	[sflag:s4] =	ssyncset.s32 $0xFFFFF086  }
0x25: {  	[simem:s6], [sflag:s4] =	dma.local [hbm:s3], $0xF7A  }
0x26: {  	[smem:$0x3F8E] =	sst s1;
	(tag) =	ssettag s2;
	_ =	strace s9  }
0x27: {  	s1 =	sld [smem:$0x3F9E]  }
0x28: {  	s2 =	sld [smem:$0x3F9F]  }
0x29: {  	s4 =	sld [smem:$0x3FA1]  }
0x2a: {  	p0 =	seq.s32 s5, $0x0;
	s5 =	sld [smem:$0x3FA2]  }
0x2b: {  	s6 =	sld [smem:$0x3FA3]  }
0x2c: {  	s7 =	sld [smem:$0x3FA4]  }
0x2d: {  	s3 =	simm.s32 $0x108;
	s8 =	sld [smem:$0x3FA5]  }
0x2e: {  	s3 =	simm.s32 @!p0 $0x1082;
	s9 =	sld [smem:$0x3FA6]  }
0x2f: {  	lr =	sadd.s32 s0, s3;
	s0 =	sld [smem:$0x3F9D]  }
0x30: {  	s3 =	sld [smem:$0x3FA0]  }
0x31: {  	[smem:$0x3FA9] =	sst s10  }
0x32: {  	s10 =	sld [smem:$0x3FA7];
	_ =	sdelay $0x3  }
0x33: {  	p0 =	seq.s32 s10, $0x1;
	s10 =	sld [smem:$0x3FA9];
	_ =	sdelay $0x3  }
0x34: {  	[smem:$0x3FA9] =	sst s10  }
0x35: {  	s10 =	sld [smem:$0x3FA8];
	_ =	sdelay $0x3  }
0x36: {  	p1 =	seq.s32 s10, $0x1;
	s10 =	sld [smem:$0x3FA9];
	_ =	sdelay $0x3  }
0x37: {  	[smem:$0x3FA9] =	sst s10  }
0x38: {  	s10 =	sld [smem:$0x3FAA]  }
0x39: {  	_ = 	snop;
	(pc) =	sbr.ind lr, $3  }
0x3a: {  	_ = 	snop  }
0x3b: {  	_ = 	snop  }
0x3c: {  	p2 =	seq.s32 s10, $0x1;
	s10 =	sld [smem:$0x3FA9]  }
0x3d: {  	_ =	shalt  }
0x3e: {  	_ =	shalt  }
0x3f: {  	_ =	shalt  }
0x40: {  	_ =	shalt  }
0x41: {  	_ =	shalt  }
0x42: {  	_ =	shalt  }
0x43: {  	_ =	shalt  }
0x44: {  	_ =	shalt  }
0x45: {  	_ =	shalt  }
0x46: {  	_ =	shalt  }
0x47: {  	_ =	shalt  }
0x48: {  	_ =	shalt  }
0x49: {  	_ =	shalt  }
0x4a: {  	_ =	shalt  }
0x4b: {  	_ =	shalt  }
0x4c: {  	_ =	shalt  }
0x4d: {  	_ =	shalt  }
0x4e: {  	_ =	shalt  }
0x4f: {  	_ =	shalt  }
0x50: {  	_ =	shalt  }
0x51: {  	_ =	shalt  }
0x52: {  	_ =	shalt  }
0x53: {  	_ =	shalt  }
0x54: {  	_ =	shalt  }
0x55: {  	_ =	shalt  }
0x56: {  	_ =	shalt  }
0x57: {  	_ =	shalt  }
0x58: {  	_ =	shalt  }
0x59: {  	_ =	shalt  }
0x5a: {  	_ =	shalt  }
0x5b: {  	_ =	shalt  }
0x5c: {  	_ =	shalt  }
0x5d: {  	_ =	shalt  }
0x5e: {  	_ =	shalt  }
0x5f: {  	_ =	shalt  }
0x60: {  	_ =	shalt  }
0x61: {  	_ =	shalt  }
0x62: {  	_ =	shalt  }
0x63: {  	_ =	shalt  }
0x64: {  	_ =	shalt  }
0x65: {  	_ =	shalt  }
0x66: {  	_ =	shalt  }
0x67: {  	_ =	shalt  }
0x68: {  	_ =	shalt  }
0x69: {  	_ =	shalt  }
0x6a: {  	_ =	shalt  }
0x6b: {  	_ =	shalt  }
0x6c: {  	_ =	shalt  }
0x6d: {  	_ =	shalt  }
0x6e: {  	_ =	shalt  }
0x6f: {  	_ =	shalt  }
0x70: {  	_ =	shalt  }
0x71: {  	_ =	shalt  }
0x72: {  	_ =	shalt  }
0x73: {  	_ =	shalt  }
0x74: {  	_ =	shalt  }
0x75: {  	_ =	shalt  }
0x76: {  	_ =	shalt  }
0x77: {  	_ =	shalt  }
0x78: {  	_ =	shalt  }
0x79: {  	_ =	shalt  }
0x7a: {  	_ =	shalt  }
0x7b: {  	_ =	shalt  }
0x7c: {  	_ =	shalt  }
0x7d: {  	_ =	shalt  }
0x7e: {  	_ =	shalt  }
0x7f: {  	_ =	shalt  }
0x80: {  	_ =	shalt  }
0x81: {  	_ =	shalt  }
0x82: {  	_ =	shalt  }
0x83: {  	_ =	shalt  }
0x84: {  	_ =	shalt  }
0x85: {  	_ =	shalt  }
0x86: {  	_ =	shalt  }
0x87: {  	_ =	shalt  }
.Lfunc_end0:
.L_simem_size_0:
called_computation_lowered:
.L_overlay_start_0:
0x88: {  	s2 =	sld [smem:$0x3FD9]  }
0x89: {  	s3 =	sld [smem:$0x3FFE];
	_ =	sdelay $0x1  }
0x8a: {  	s1 =	srdreg.scid  }
0x8b: {  	s0 =	sand.u32 $0x1, s1  }
0x8c: {  	s14 =	sshll.u32 s0, $0xA;
	s2 =	sadd.s32 s3, s2  }
0x8d: {  	s2 =	sadd.s32 s2, s14  }
0x8e: {  	[smem:$0x3FB5] =	sst s2  }
0x8f: {  	_ = 	snop  }
0x90: {  	s2 =	sld [smem:$0x3FD0];
	_ =	sdelay $0x2  }
0x91: {  	s15 =	simm.s32 $0xA;
	s4 =	simm.s32 $0x10  }
0x92: {  	[smem:s4], [sflag:s15] =	dma.local [hbm:s2], $0x1  }
0x93: {  	_ =	swait.eq [sflag:s15], $0x1  }
0x94: {  	[sflag:s15] =	ssyncset.done $0x0  }
0x95: {  	[sflag:s15] =	ssyncadd.s32 $0xFFFFFFFF  }
0x96: {  	s16 =	sld [smem:$0x11];
	(tm) =	ssettm $0x1  }
0x97: {  	s17 =	sld [smem:$0x3FFB];
	_ =	sdelay $0x3  }
0x98: {  	_ =	strace s17  }
0x99: {  	s3 =	sld [smem:$0x3FFC];
	_ =	sdelay $0x3  }
0x9a: {  	_ =	strace s3  }
0x9b: {  	s3 =	sld [smem:$0x3FFD];
	_ =	sdelay $0x3  }
0x9c: {  	_ =	strace s3  }
0x9d: {  	_ =	strace $0x8FFFFFFF  }
0x9e: {  	s18 =	sld [smem:$0x3FDB];
	_ =	sdelay $0x1  }
0x9f: {  	s19 =	simm.s32 $_scs_section_size  }
0xa0: {  	s5 =	simm.s32 $_size__tile_overlayer_lowered;
	s6 =	simm.s32 $_tile_overlayer_lowered  }
0xa1: {  	s22 =	simm.s32 $0x1BFF;
	s21 =	sshll.u32 s6, $0x1;
	s3 =	sadd.s32 s19, s18  }
0xa2: {  	s7 =	simm.s32 $0x0;
	s20 =	sshll.u32 s5, $0x1;
	s5 =	sadd.s32 s21, s3  }
0xa3: {  	[timem:s7], [sflag:s22] =	dma.local [hbm:s5], s20  }
0xa4: {  	_ =	swait.ge [sflag:s22], s20  }
0xa5: {  	s4 =	ssub.s32 $0x0, s20;
	[sflag:s22] =	ssyncset.done $0x0  }
0xa6: {  	[sflag:s22] =	ssyncadd.s32 s4;
	_ =	sdelay $0x1  }
0xa7: {  	s23 =	simm.s32 $0x1B8B  }
0xa8: {  	_ =	swait.ge [sflag:s23], $0x1  }
0xa9: {  	[sflag:s23] =	ssyncset.done $0x0  }
0xaa: {  	s25 =	simm.s32 $0x1B8E;
	s24 =	sld [smem:$0x3FFE];
	[sflag:s23] =	ssyncadd.s32 $0xFFFFFFFF  }
0xab: {  	s26 =	simm.s32 $execute0_lowered;
	[smem:$0x3FD2] =	sst s25  }
0xac: {  	s5 =	sshll.u32 s26, $0x1;
	_ =	strace $0x80000046;
	[dreg:$0x1] =	wrdreg $0xFFFFFFFF  }
0xad: {  	s28 =	simm.s32 $_size_execute0_lowered;
	s3 =	sadd.s32 s3, s5;
	[dreg:$0x0] =	wrdreg $0x0  }
0xae: {  	s5 =	sshll.u32 s28, $0x1;
	[dreg:$0x2] =	wrdreg s3  }
0xaf: {  	[dreg:$0x3] =	wrdreg s5  }
0xb0: {  	[dreg:$0x4] =	wrdreg $0xC0  }
0xb1: {  	_ =	task [dreg:s7], $0x5FFFF  }
0xb2: {  	[dreg:$0x1] =	wrdreg $0xFFFFFFFF  }
0xb3: {  	[dreg:$0x0] =	wrdreg $0x60  }
0xb4: {  	[dreg:$0x2] =	wrdreg s24  }
0xb5: {  	[dreg:$0x3] =	wrdreg s16  }
0xb6: {  	[dreg:$0x4] =	wrdreg $0x1B7800  }
0xb7: {  	[dreg:$0x5] =	wrdreg $0x9  }
0xb8: {  	_ =	task.clear_ibuf [dreg:s7], $0x6FFFF;
	_ =	strace $0x90000046  }
0xb9: {  	s29 =	simm.s32 $0x9;
	_ =	strace $0x80000048  }
0xba: {  	_ =	swait.ge [sflag:s29], $0x1  }
0xbb: {  	[sflag:s29] =	ssyncadd.s32 $0xFFFFFFFF  }
0xbc: {  	_ =	strace $0x90000048  }
0xbd: {  	_ =	sfence  }
0xbe: {  	s30 =	sld [smem:$0x0];
	_ =	sdelay $0x2  }
0xbf: {  	s31 =	sshll.u32 s1, $0xD;
	s1 =	sshrl.u32 s1, $0x2  }
0xc0: {  	s3 =	sand.u32 $0x4000, s31;
	s1 =	sadd.s32 s1, s30  }
0xc1: {  	s0 =	sor.u32 s3, s0;
	s1 =	sshll.u32 s1, $0x11  }
0xc2: {  	s0 =	sor.u32 s1, s0  }
0xc3: {  	s0 =	sadd.s32 $0x8F2B, s0  }
0xc4: {  	[sflag:s0] =	ssyncadd.remote.s32 $0x1  }
0xc5: {  	_ =	sfence.sel $0xFFFF  }
0xc6: {  	[dreg:$0x0] =	wrdreg $0xFFFFFFFF;
	(pc) =	sbr.abs _section_cstart, $3  }
0xc7: {  	[dreg:$0x1] =	wrdreg $0xFFFFFFFF  }
0xc8: {  	_ =	task.clear_ibuf [dreg:s7], $0x2FFFF;
	_ =	strace $0x9FFFFFFF  }
0xc9: {  	(tm) =	ssettm $0x7FFFFFFF  }
tec
execute0_lowered:
.L_overlay_start_1:
0x0: {  	(tag) =	ssettag $0x1  }
0x1: {  	s3 =	rddreg [dreg:$0x0]  }
0x2: {  	s0 =	srdreg.scid;
	s8 =	rddreg [dreg:$0x1]  }
0x3: {  	s10 =	stileid.u32;
	s1 =	rddreg [dreg:$0x2];
	s2 =	simm.s32 $0x0  }
0x4: {  	s14 =	simm.s32 $0xEF80;
	s15 =	simm.s32 $0x1;
	s16 =	simm.s32 $0x2  }
0x5: {  	s17 =	simm.s32 $0x2580;
	s18 =	simm.s32 $0x0;
	s6 =	sand.u32 $0x1, s0  }
0x6: {  	s29 =	sshll.u32 s10, $0x1;
	s0 =	rddreg [dreg:$0x3];
	s30 =	smul.u32 $0x4E200, s10  }
0x7: {  	[smem:$0x7FF] =	sst s2;
	s4 =	sor.u32 s6, s29;
	s13 =	smul.u32 $0x27100, s6  }
0x8: {  	p0 =	sne.s32 s10, $0x0;
	_ =	strace $0x80000047;
	s5 =	smul.u32 $0x2710, s4  }
0x9: {  	s9 =	ssub.s32 $0x2, s6;
	s10 =	sshrl.u32 @!p0 s1, $0x3;
	s7 =	smul.u32 $0x138800, s4  }
0xa: {  	s11 =	sshrl.u32 s9, $0x1;
	s12 =	smul.u32 $0x27100, s4;
	s31 =	sadd.s32 s30, s8  }
0xb: {  	s9 =	ssub.s32 s9, s11;
	s11 =	simm.s32 $0x3;
	s5 =	sshrl.u32 s5, $0x3  }
0xc: {  	s7 =	sshrl.u32 s7, $0x3;
	s6 =	smax.u32 s9, $0x1;
	s9 =	sadd.s32 s13, s31  }
0xd: {  	s13 =	simm.s32 $0x2780;
	s5 =	sadd.s32 s5, s3;
	s7 =	sadd.s32 s8, s7  }
0xe: {  	s4 =	sadd.s32 $0x2E00, s5;
	s5 =	sadd.s32 $0x25800, s7;
	s7 =	sadd.s32 s8, s12  }
0xf: {  	s3 =	sadd.s32 $0xCC00, s3;
	s12 =	simm.s32 $0x190;
	s8 =	sadd.s32 $0x1900, s7  }
.LBB2_1:
0x10: {  	s19 =	simm.s32 @!p0 $0x1C03  }
0x11: {  	[spmem:s10], [sflag:s19] =	dma.local @!p0 [hbm:s3], $0x400  }
0x12: {  	s19 =	simm.s32 @!p0 $0x3  }
0x13: {  	_ =	swait.ge @!p0 [sflag:s19], $0x400  }
0x14: {  	[sflag:s19] =	ssyncset.done @!p0 $0x0  }
0x15: {  	[sflag:s19] =	ssyncadd.s32 @!p0 $0xFFFFFC00  }
0x16: {  	[bflag:$0x0] =	sbarrier.arrive $0xFFFF  }
0x17: {  	[tilespmem:s2], [sflag:$0x3] =	stream.linear.gather [hbm4b:s4+s2], $0x2710, $0x38;
	[tilespmem:$0x1B980] =	vst v63  }
0x18: {  	_ =	swait.ge [sflag:s11], $0x2710  }
0x19: {  	[sflag:s11] =	ssyncset.done $0x0  }
0x1a: {  	[sflag:s11] =	ssyncadd.s32 $0xFFFFD8F0  }
0x1b: {  	[tilespmem:s13], [sflag:$0x3] =	stream.indirect.gather [spmem:s1], $0x80, s2, s12, $0xb8;
	[tilespmem:$0x1B980] =	vst v63  }
0x1c: {  	_ =	swait.ge [sflag:s11], $0xC800  }
0x1d: {  	[sflag:s11] =	ssyncset.done $0x0  }
0x1e: {  	[sflag:s11] =	ssyncadd.s32 $0xFFFF3800  }
0x1f: {  	[hbm4b:s7+s2] =	stream.linear.scatter [tilespmem:s13], [sflag:$0x1], $0xC800, $0x38;
	[tilespmem:$0x1B980] =	vst v63  }
0x20: {  	_ = 	snop  }
0x21: {  	[tilespmem:s14], [sflag:$0x3] =	stream.indirect.gather [spmem:s1], $0x80, s12, s12, $0xb8;
	[tilespmem:$0x1B980] =	vst v63  }
0x22: {  	_ =	swait.ge [sflag:s11], $0xC800  }
0x23: {  	[sflag:s11] =	ssyncset.done $0x0  }
0x24: {  	[sflag:s11] =	ssyncadd.s32 $0xFFFF3800  }
0x25: {  	[hbm4b:s8+s2] =	stream.linear.scatter [tilespmem:s14], [sflag:$0x2], $0xC800, $0x38;
	[tilespmem:$0x1B980] =	vst v63  }
0x26: {  	_ =	swait.ge [sflag:s15], $0xC800  }
0x27: {  	[sflag:s15] =	ssyncset.done $0x0  }
0x28: {  	s29 =	simm.s32 $0x320;
	[sflag:s15] =	ssyncadd.s32 $0xFFFF3800  }
0x29: {  	[tilespmem:s13], [sflag:$0x3] =	stream.indirect.gather [spmem:s1], $0x80, s29, s12, $0xb8;
	[tilespmem:$0x1B980] =	vst v63  }
0x2a: {  	_ =	swait.ge [sflag:s11], $0xC800  }
0x2b: {  	s20 =	sadd.s32 $0x0, s9;
	[sflag:s11] =	ssyncset.done $0x0  }
0x2c: {  	s30 =	sadd.s32 $0x3200, s20;
	[sflag:s11] =	ssyncadd.s32 $0xFFFF3800  }
0x2d: {  	[hbm4b:s30+s2] =	stream.linear.scatter [tilespmem:s13], [sflag:$0x1], $0xC800, $0x38;
	[tilespmem:$0x1B980] =	vst v63  }
0x2e: {  	_ =	swait.ge [sflag:s16], $0xC800  }
0x2f: {  	[sflag:s16] =	ssyncset.done $0x0  }
0x30: {  	s31 =	simm.s32 $0x4B0;
	[sflag:s16] =	ssyncadd.s32 $0xFFFF3800  }
0x31: {  	[tilespmem:s14], [sflag:$0x3] =	stream.indirect.gather [spmem:s1], $0x80, s31, s12, $0xb8;
	[tilespmem:$0x1B980] =	vst v63  }
0x32: {  	_ =	swait.ge [sflag:s11], $0xC800  }
0x33: {  	s21 =	sadd.s32 $0x4B00, s20;
	[sflag:s11] =	ssyncset.done $0x0  }
0x34: {  	s20 =	simm.s32 $0x7D0;
	s19 =	simm.s32 $0x3200;
	[sflag:s11] =	ssyncadd.s32 $0xFFFF3800  }
.LBB2_2:
0x35: {  	[hbm4b:s21+s2] =	stream.linear.scatter [tilespmem:s14], [sflag:$0x2], $0xC800, $0x38;
	[tilespmem:$0x1B980] =	vst v63  }
0x36: {  	s21 =	smov.u32 s19  }
0x37: {  	p1 =	sne.s32 s19, $0x1F400;
	s19 =	sadd.s32 $0x3200, s19;
	_ =	swait.ge [sflag:s15], $0xC800  }
0x38: {  	[sflag:s15] =	ssyncset.done $0x0  }
0x39: {  	s22 =	sadd.s32 $0xFFFFFE70, s20;
	[sflag:s15] =	ssyncadd.s32 $0xFFFF3800  }
0x3a: {  	[tilespmem:s13], [sflag:$0x3] =	stream.indirect.gather [spmem:s1], $0x80, s22, s12, $0xb8;
	[tilespmem:$0x1B980] =	vst v63  }
0x3b: {  	_ =	swait.ge [sflag:s11], $0xC800  }
0x3c: {  	s21 =	sadd.s32 s21, s9;
	[sflag:s11] =	ssyncset.done $0x0  }
0x3d: {  	s22 =	sadd.s32 $0x3200, s21;
	[sflag:s11] =	ssyncadd.s32 $0xFFFF3800  }
0x3e: {  	[hbm4b:s22+s2] =	stream.linear.scatter [tilespmem:s13], [sflag:$0x1], $0xC800, $0x38;
	[tilespmem:$0x1B980] =	vst v63  }
0x3f: {  	_ =	swait.ge [sflag:s16], $0xC800  }
0x40: {  	[sflag:s16] =	ssyncset.done $0x0  }
.Ltmp0:
0x41: {  	[sflag:s16] =	ssyncadd.s32 $0xFFFF3800;
	(pc) =	sbr.rel @p1 .LBB2_2-.Ltmp0, $4  }
0x42: {  	[tilespmem:s14], [sflag:$0x3] =	stream.indirect.gather [spmem:s1], $0x80, s20, s12, $0xb8;
	[tilespmem:$0x1B980] =	vst v63  }
0x43: {  	_ =	swait.ge [sflag:s11], $0xC800  }
0x44: {  	[sflag:s11] =	ssyncset.done $0x0  }
0x45: {  	s21 =	sadd.s32 $0x4B00, s21;
	s20 =	sadd.s32 $0x320, s20;
	[sflag:s11] =	ssyncadd.s32 $0xFFFF3800  }
0x46: {  	[hbm4b:s21+s2] =	stream.linear.scatter [tilespmem:s14], [sflag:$0x2], $0xC800, $0x38;
	[tilespmem:$0x1B980] =	vst v63  }
0x47: {  	_ =	swait.ge [sflag:s15], $0xC800  }
0x48: {  	[sflag:s15] =	ssyncset.done $0x0  }
0x49: {  	[sflag:s15] =	ssyncadd.s32 $0xFFFF3800  }
0x4a: {  	[tilespmem:s13], [sflag:$0x3] =	stream.indirect.gather [spmem:s1], $0x80, s17, s12, $0xb8;
	[tilespmem:$0x1B980] =	vst v63  }
0x4b: {  	_ =	swait.ge [sflag:s11], $0xC800  }
0x4c: {  	[sflag:s11] =	ssyncset.done $0x0  }
0x4d: {  	s18 =	sadd.s32 $0x1, s18;
	[sflag:s11] =	ssyncadd.s32 $0xFFFF3800  }
0x4e: {  	[hbm4b:s5+s2] =	stream.linear.scatter [tilespmem:s13], [sflag:$0x1], $0xC800, $0x38;
	[tilespmem:$0x1B980] =	vst v63  }
0x4f: {  	p1 =	sne.s32 s18, s6;
	_ =	swait.ge [sflag:s15], $0xC800  }
.Ltmp1:
0x50: {  	[sflag:s15] =	ssyncset.done $0x0;
	(pc) =	sbr.rel @p1 .LBB2_1-.Ltmp1, $4  }
0x51: {  	[sflag:s15] =	ssyncadd.s32 $0xFFFF3800  }
0x52: {  	_ =	swait.ge [sflag:s16], $0xC800  }
0x53: {  	[sflag:s16] =	ssyncset.done $0x0  }
0x54: {  	[sflag:s16] =	ssyncadd.s32 $0xFFFF3800  }
0x55: {  	_ =	sfence.sel $0x180000  }
0x56: {  	[bflag:$0x0] =	sbarrier.arrive $0xFFFF  }
0x57: {  	_ =	strace $0x90000047  }
0x58: {  	s0 =	sadd.s32 @!p0 $0x100000, s0;
	[bflag:$0x2] =	sbarrier.arrive $0xFFFF  }
0x59: {  	[sflag:s0] =	ssyncadd.tile.s32 @!p0 $0x1;
	_ =	shalt  }
.Lfunc_end2:
_tile_overlayer_lowered:
.L_overlay_start_2:
0x5a: {  	(tag) =	ssettag $0x2  }
0x5b: {  	s0 =	rddreg [dreg:$0x0];
	s2 =	stileid.u32  }
0x5c: {  	s1 =	rddreg [dreg:$0x1];
	p0 =	sne.s32 s2, $0x0  }
0x5d: {  	s3 =	rddreg [dreg:$0x2];
	[bflag:$0x3] =	sbarrier.arrive $0xFFFF;
	s2 =	simm.s32 @!p0 $0x1C03  }
0x5e: {  	[timem:s3], [sflag:s2] =	dma.local @!p0 [hbm:s0], s1  }
0x5f: {  	s0 =	simm.s32 @!p0 $0x3  }
0x60: {  	_ =	swait.ge @!p0 [sflag:s0], s1  }
0x61: {  	s1 =	ssub.s32 @!p0 $0x0, s1;
	[sflag:s0] =	ssyncset.done @!p0 $0x0  }
0x62: {  	[sflag:s0] =	ssyncadd.s32 @!p0 s1  }
0x63: {  	[bflag:$0x3] =	sbarrier.arrive $0xFFFF  }
0x64: {  	_ =	shalt  }

</sc_bundles>
